<compile_context>
chip_gen: v7x
topology: tpu7x:2x2x1
jax: 0.10.2.dev20260603
libtpu: 0.0.44.dev20260713+nightly
codegen_flags: <defaults>
</compile_context>

<pallas_src>
import functools

import jax
import jax.numpy as jnp
from jax import lax
from jax.experimental import pallas as pl
from jax.experimental.pallas import tpu as pltpu
from jax.experimental.pallas import tpu_sc as plsc

B = 4096
B3 = 3 * B
D = 128
K = 64
N_REL = 64
KG_L2 = 1e-05
SOCIAL_L2 = 1e-05

NW = 32
CHUNK = 128
NCH = B3 // NW // CHUNK
ROWS_W = B3 // NW
NBUF = 6

SM = 256
NSB = B // SM
RG = 4
NG = N_REL // RG



def _ring_gather(tasks, bufs, gsem, wsem):
    nb = len(bufs)
    nt = len(tasks)
    gathers = [None] * nt
    writes = [None] * nt
    for k in range(min(nb, nt)):
        idx_r, tab, _ = tasks[k]
        gathers[k] = pltpu.async_copy(tab.at[idx_r], bufs[k], gsem[k])
    for k in range(nt):
        b = k % nb
        gathers[k].wait()
        writes[k] = pltpu.async_copy(bufs[b], tasks[k][2], wsem[b])
        nxt = k + nb
        if nxt < nt:
            writes[nxt - nb].wait()
            idx_r, tab, _ = tasks[nxt]
            gathers[nxt] = pltpu.async_copy(tab.at[idx_r], bufs[b], gsem[b])
    for k in range(max(nt - nb, 0), nt):
        writes[k].wait()


@functools.cache
def _sc_gather_fn():
  @functools.partial(
      pl.kernel,
      mesh=plsc.VectorSubcoreMesh(core_axis_name="c", subcore_axis_name="s"),
      out_type=[
          jax.ShapeDtypeStruct((B3, D), jnp.float32),
          jax.ShapeDtypeStruct((B3, D), jnp.float32),
          jax.ShapeDtypeStruct((B3, D), jnp.float32),
      ],
      scratch_types=(
          [pltpu.VMEM((NCH, CHUNK), jnp.int32)] * 2 +
          [pltpu.VMEM((CHUNK, D), jnp.float32)] * NBUF +
          [pltpu.SemaphoreType.DMA] * (2 * NBUF)
      ),
  )
  def _sc_gather(ent_idx, soc_idx, entity_t, user_t,
                 ent3_o, user3_o, entu3_o,
                 idx_e, idx_s, *bufs_sems):
    bufs = bufs_sems[:NBUF]
    gsem = bufs_sems[NBUF:2 * NBUF]
    wsem = bufs_sems[2 * NBUF:]

    wid = lax.axis_index("s") * 2 + lax.axis_index("c")
    row0 = wid * ROWS_W

    pltpu.sync_copy(ent_idx.at[wid], idx_e)
    pltpu.sync_copy(soc_idx.at[wid], idx_s)

    tasks = (
        [(idx_e.at[j], entity_t, ent3_o.at[pl.ds(row0 + j * CHUNK, CHUNK)])
         for j in range(NCH)] +
        [(idx_s.at[j], user_t, user3_o.at[pl.ds(row0 + j * CHUNK, CHUNK)])
         for j in range(NCH)] +
        [(idx_s.at[j], entity_t, entu3_o.at[pl.ds(row0 + j * CHUNK, CHUNK)])
         for j in range(NCH)]
    )
    _ring_gather(tasks, bufs, gsem, wsem)

  return _sc_gather



def _row_sums(x):
    return jnp.dot(x, jnp.ones((x.shape[1], 1), jnp.float32),
                   preferred_element_type=jnp.float32)


def _tc_body(lohi_ref, e3_ref, tm_ref, rs_ref, rsf_ref, relt_ref,
             u3_ref, eu3_ref, out_ref, acc_ref):
    i = pl.program_id(0)

    e_blk = e3_ref[...].reshape(3 * SM, D).astype(jnp.bfloat16)
    rr = rs_ref[...]
    lo = lohi_ref[0, i]
    hi = lohi_ref[1, i]

    blk = pl.ds(i * 3 * SM, 3 * SM)
    acc_ref[blk, :] = jnp.zeros((3 * SM, K), jnp.float32)

    def trip(j, carry):
        mj = tm_ref[pl.ds(j * D, D), :]
        y = jnp.dot(e_blk, mj, preferred_element_type=jnp.float32)
        contrib = jnp.zeros((3 * SM, K), jnp.float32)
        for q in range(RG):
            m = (rr == j * RG + q).astype(jnp.float32)
            m3 = jnp.concatenate([m, m, m])
            contrib = contrib + y[:, q * K:(q + 1) * K] * m3
        acc_ref[blk, :] += contrib
        return carry

    lax.fori_loop(lo, hi + 1, trip, 0)

    @pl.when(i == NSB - 1)
    def _():
        def norm(x):
            n = jnp.sqrt(_row_sums(x * x))
            inv = 1.0 / jnp.maximum(n, 1e-12)
            return x * inv, n * inv

        rsf = rsf_ref[...]
        oh = (rsf == lax.broadcasted_iota(jnp.int32, (B, N_REL), 1)
              ).astype(jnp.float32)
        relg = jnp.dot(oh, relt_ref[...],
                       preferred_element_type=jnp.float32)

        def section(sec):
            return jnp.concatenate([
                acc_ref[pl.ds((ib * 3 + sec) * SM, SM), :]
                for ib in range(NSB)])

        h_n, h_u = norm(section(0))
        p_n, p_u = norm(section(1))
        n_n, n_u = norm(section(2))
        r_n, r_u = norm(relg)
        base = h_n + r_n
        pos_score = _row_sums(jnp.square(base - p_n))
        neg_score = _row_sums(jnp.square(base - n_n))
        x = neg_score - pos_score
        kg_loss = jnp.mean(jnp.maximum(-x, 0.0)
                           + jnp.log(1.0 + jnp.exp(-jnp.abs(x))))
        kg_l2 = 0.5 * (jnp.mean(jnp.square(h_u)) + jnp.mean(jnp.square(r_u))
                       + jnp.mean(jnp.square(p_u))
                       + jnp.mean(jnp.square(n_u)))

        inv_u = u3_ref[pl.ds(0, B), :]
        inv_s = inv_u + eu3_ref[pl.ds(0, B), :]
        vp_s = u3_ref[pl.ds(B, B), :] + eu3_ref[pl.ds(B, B), :]
        vn_s = u3_ref[pl.ds(2 * B, B), :] + eu3_ref[pl.ds(2 * B, B), :]
        pos_s = _row_sums(inv_s * vp_s)
        neg_s = _row_sums(inv_s * vn_s)
        xs = pos_s - neg_s
        sig = 1.0 / (1.0 + jnp.exp(-xs))
        social_loss = jnp.mean(-jnp.log(1e-10 + sig))
        social_l2 = 0.5 * (jnp.mean(_row_sums(inv_u * inv_u))
                           + jnp.mean(_row_sums(vp_s * vp_s))
                           + jnp.mean(_row_sums(vn_s * vn_s)))

        out_ref[0, 0] = (kg_loss + KG_L2 * kg_l2
                         + social_loss + SOCIAL_L2 * social_l2)


def _tc_call(lohi, e3s, tm, rs, relt, u3, eu3):
    return pl.pallas_call(
        _tc_body,
        grid=(NSB,),
        in_specs=[
            pl.BlockSpec(memory_space=pltpu.SMEM),
            pl.BlockSpec((3, SM, D), lambda i: (0, i, 0)),
            pl.BlockSpec((NG * D, RG * K), lambda i: (0, 0)),
            pl.BlockSpec((SM, 1), lambda i: (i, 0)),
            pl.BlockSpec((B, 1), lambda i: (0, 0)),
            pl.BlockSpec((N_REL, K), lambda i: (0, 0)),
            pl.BlockSpec((B3, D), lambda i: (0, 0)),
            pl.BlockSpec((B3, D), lambda i: (0, 0)),
        ],
        out_specs=pl.BlockSpec(memory_space=pltpu.SMEM),
        out_shape=jax.ShapeDtypeStruct((1, 1), jnp.float32),
        scratch_shapes=[pltpu.VMEM((B3, K), jnp.float32)],
        compiler_params=pltpu.CompilerParams(
            dimension_semantics=("arbitrary",)),
    )(lohi, e3s, tm, rs, rs.reshape(B, 1), relt, u3, eu3)


def kernel(inviter_ids, voter_pos_ids, voter_neg_ids, h, r, pos_t, neg_t,
           is_train, user_embed, entity_embed, relation_embed, trans_M):
    i32 = jnp.int32
    r_s, h_s, p_s, n_s = lax.sort(
        (r.astype(i32), h.astype(i32), pos_t.astype(i32), neg_t.astype(i32)),
        num_keys=1)

    ent_idx = jnp.concatenate([h_s, p_s, n_s]).reshape(NW, NCH, CHUNK)
    soc_idx = jnp.concatenate(
        [inviter_ids, voter_pos_ids, voter_neg_ids]).astype(i32).reshape(
        NW, NCH, CHUNK)

    ent3, user3, entu3 = _sc_gather_fn()(
        ent_idx, soc_idx, entity_embed, user_embed)

    g_all = r_s // RG
    lohi = jnp.stack([g_all[::SM], g_all[SM - 1::SM]]).astype(i32)

    tm = trans_M.reshape(NG, RG, D, K).transpose(0, 2, 1, 3).reshape(
        NG * D, RG * K).astype(jnp.bfloat16)

    out = _tc_call(lohi, ent3.reshape(3, B, D), tm,
                   r_s.reshape(B, 1), relation_embed, user3, entu3)
    return out.reshape(())

# --- scband reference (transcript-rebuilt; emitter-appended) ---
"""Pipeline reference for scband-cke-73031623901806 (READ-ONLY COPY).

The authoritative reference and input builder live on the scoring server;
editing this copy changes nothing except your own understanding.
"""

import jax, jax.numpy as jnp
import numpy as np

N_USERS = 100000
N_ENTITIES = 100000
N_RELATIONS = 64
EMBED_DIM = 128
REL_DIM = 64
KG_L2 = 1e-05
SOCIAL_L2 = 1e-05
B = 4096


def _xavier(key, shape, fan_in, fan_out):
    a = np.sqrt(6.0 / (fan_in + fan_out))
    return jax.random.uniform(key, shape, minval=-a, maxval=a, dtype=jnp.float32)


def setup_inputs(seed: int = 0):
    key = jax.random.key(seed)
    ks = jax.random.split(key, 11)
    inviter_ids = jax.random.randint(ks[0], (B,), 0, N_USERS, dtype=jnp.int64) if jax.config.jax_enable_x64 else jax.random.randint(ks[0], (B,), 0, N_USERS)
    voter_pos_ids = jax.random.randint(ks[1], (B,), 0, N_USERS)
    voter_neg_ids = jax.random.randint(ks[2], (B,), 0, N_USERS)
    h = jax.random.randint(ks[3], (B,), 0, N_ENTITIES)
    r = jax.random.randint(ks[4], (B,), 0, N_RELATIONS)
    pos_t = jax.random.randint(ks[5], (B,), 0, N_ENTITIES)
    neg_t = jax.random.randint(ks[6], (B,), 0, N_ENTITIES)
    user_embed = _xavier(ks[7], (N_USERS, EMBED_DIM), N_USERS, EMBED_DIM)
    entity_embed = _xavier(ks[8], (N_ENTITIES, EMBED_DIM), N_ENTITIES, EMBED_DIM)
    relation_embed = _xavier(ks[9], (N_RELATIONS, REL_DIM), N_RELATIONS, REL_DIM)
    trans_M = _xavier(ks[10], (N_RELATIONS, EMBED_DIM, REL_DIM), EMBED_DIM, REL_DIM)
    return {
        'inviter_ids': inviter_ids,
        'voter_pos_ids': voter_pos_ids,
        'voter_neg_ids': voter_neg_ids,
        'h': h,
        'r': r,
        'pos_t': pos_t,
        'neg_t': neg_t,
        'is_train': True,
        'user_embed': user_embed,
        'entity_embed': entity_embed,
        'relation_embed': relation_embed,
        'trans_M': trans_M,
    }


def _normalize(x):
    n = jnp.linalg.norm(x, ord=2, axis=1, keepdims=True)
    return x / jnp.maximum(n, 1e-12)


def _l2_loss_mean(x):
    return jnp.mean(jnp.sum(x * x, axis=1) / 2.0)


def reference(inviter_ids, voter_pos_ids, voter_neg_ids, h, r, pos_t, neg_t, is_train, user_embed, entity_embed, relation_embed, trans_M):
    # --- KG (TransR-style) loss ---
    r_embed = jnp.take(relation_embed, r, axis=0)
    W_r = jnp.take(trans_M, r, axis=0)
    h_embed = jnp.take(entity_embed, h, axis=0)
    pos_t_embed = jnp.take(entity_embed, pos_t, axis=0)
    neg_t_embed = jnp.take(entity_embed, neg_t, axis=0)
    r_mul_h = jnp.einsum('bd,bdk->bk', h_embed, W_r)
    r_mul_pos_t = jnp.einsum('bd,bdk->bk', pos_t_embed, W_r)
    r_mul_neg_t = jnp.einsum('bd,bdk->bk', neg_t_embed, W_r)
    r_embed = _normalize(r_embed)
    r_mul_h = _normalize(r_mul_h)
    r_mul_pos_t = _normalize(r_mul_pos_t)
    r_mul_neg_t = _normalize(r_mul_neg_t)
    pos_score = jnp.sum(jnp.square(r_mul_h + r_embed - r_mul_pos_t), axis=1)
    neg_score = jnp.sum(jnp.square(r_mul_h + r_embed - r_mul_neg_t), axis=1)
    kg_loss = jnp.mean(-1.0 * jax.nn.log_sigmoid(neg_score - pos_score))
    kg_l2 = _l2_loss_mean(r_mul_h) + _l2_loss_mean(r_embed) + _l2_loss_mean(r_mul_pos_t) + _l2_loss_mean(r_mul_neg_t)
    kg_total = kg_loss + KG_L2 * kg_l2
    # --- Social (BPR-style) loss ---
    inviter_embed = jnp.take(user_embed, inviter_ids, axis=0)
    voter_pos_embed = jnp.take(user_embed, voter_pos_ids, axis=0)
    voter_neg_embed = jnp.take(user_embed, voter_neg_ids, axis=0)
    inviter_kg_embed = jnp.take(entity_embed, inviter_ids, axis=0)
    voter_pos_kg_embed = jnp.take(entity_embed, voter_pos_ids, axis=0)
    voter_neg_kg_embed = jnp.take(entity_embed, voter_neg_ids, axis=0)
    inviter_social = inviter_embed + inviter_kg_embed
    voter_pos_social = voter_pos_embed + voter_pos_kg_embed
    voter_neg_social = voter_neg_embed + voter_neg_kg_embed
    pos_s = jnp.sum(inviter_social * voter_pos_social, axis=1)
    neg_s = jnp.sum(inviter_social * voter_neg_social, axis=1)
    social_loss = jnp.mean(-1.0 * jnp.log(1e-10 + jax.nn.sigmoid(pos_s - neg_s)))
    social_l2 = _l2_loss_mean(inviter_embed) + _l2_loss_mean(voter_pos_social) + _l2_loss_mean(voter_neg_social)
    social_total = social_loss + SOCIAL_L2 * social_l2
    return kg_total + social_total

if __name__ == "__main__":
    import jax
    _d = setup_inputs()
    print(jax.jit(kernel)(*tuple(_d.values())))

</pallas_src>

<mosaic_0001>
#map = affine_map<(d0, d1) -> (0, 0, 0)>
#map1 = affine_map<(d0, d1) -> (0, 0)>
module attributes {stable_mosaic.version = 14 : i64} {
  func.func @_sc_gather(%arg0: i32, %arg1: i32, %arg2: memref<32x3x128xi32, #tpu.memory_space<hbm>>, %arg3: memref<32x3x128xi32, #tpu.memory_space<hbm>>, %arg4: memref<100000x128xf32, #tpu.memory_space<hbm>>, %arg5: memref<100000x128xf32, #tpu.memory_space<hbm>>, %arg6: memref<12288x128xf32, #tpu.memory_space<hbm>>, %arg7: memref<12288x128xf32, #tpu.memory_space<hbm>>, %arg8: memref<12288x128xf32, #tpu.memory_space<hbm>>, %arg9: memref<3x128xi32, #tpu.memory_space<vmem>>, %arg10: memref<3x128xi32, #tpu.memory_space<vmem>>, %arg11: memref<128x128xf32, #tpu.memory_space<vmem>>, %arg12: memref<128x128xf32, #tpu.memory_space<vmem>>, %arg13: memref<128x128xf32, #tpu.memory_space<vmem>>, %arg14: memref<128x128xf32, #tpu.memory_space<vmem>>, %arg15: memref<128x128xf32, #tpu.memory_space<vmem>>, %arg16: memref<128x128xf32, #tpu.memory_space<vmem>>, %arg17: memref<!tpu.dma_semaphore, #tpu.memory_space<semaphore_mem>>, %arg18: memref<!tpu.dma_semaphore, #tpu.memory_space<semaphore_mem>>, %arg19: memref<!tpu.dma_semaphore, #tpu.memory_space<semaphore_mem>>, %arg20: memref<!tpu.dma_semaphore, #tpu.memory_space<semaphore_mem>>, %arg21: memref<!tpu.dma_semaphore, #tpu.memory_space<semaphore_mem>>, %arg22: memref<!tpu.dma_semaphore, #tpu.memory_space<semaphore_mem>>, %arg23: memref<!tpu.dma_semaphore, #tpu.memory_space<semaphore_mem>>, %arg24: memref<!tpu.dma_semaphore, #tpu.memory_space<semaphore_mem>>, %arg25: memref<!tpu.dma_semaphore, #tpu.memory_space<semaphore_mem>>, %arg26: memref<!tpu.dma_semaphore, #tpu.memory_space<semaphore_mem>>, %arg27: memref<!tpu.dma_semaphore, #tpu.memory_space<semaphore_mem>>, %arg28: memref<!tpu.dma_semaphore, #tpu.memory_space<semaphore_mem>>) attributes {dimension_semantics = [#tpu.dimension_semantics<core_parallel>, #tpu.dimension_semantics<subcore_parallel>], iteration_bounds = array<i64: 2, 16>, scalar_prefetch = 0 : i64, scratch_operands = 20 : i64, tpu.core_type = #tpu.core_type<sc_vector_subcore>, window_params = [{transform_indices = #map}, {transform_indices = #map}, {transform_indices = #map1}, {transform_indices = #map1}, {transform_indices = #map1}, {transform_indices = #map1}, {transform_indices = #map1}]} {
    %mul3A = arith.constant 2 : i32
    %mul3A_0 = arith.muli %arg1, %mul3A : i32
    %add3A = arith.addi %mul3A_0, %arg0 : i32
    %mul3A_1 = arith.constant 384 : i32
    %mul3A_2 = arith.muli %add3A, %mul3A_1 : i32
    "tpu.region"() ({
      %run_scoped3A = tpu.sem_alloc : memref<!tpu.dma_semaphore, #tpu.memory_space<semaphore_mem>>
      %dma_start3A_217 = arith.constant 0 : i32
      %dma_start3A_218 = arith.constant 0 : i32
      %dma_start3A_219 = tpu.memref_slice %arg2[%add3A, %dma_start3A_217, %dma_start3A_218] : memref<32x3x128xi32, #tpu.memory_space<hbm>> -> memref<1x3x128xi32, #tpu.memory_space<hbm>>
      %dma_start3A_220 = tpu.memref_squeeze %dma_start3A_219 : memref<1x3x128xi32, #tpu.memory_space<hbm>> -> memref<3x128xi32, #tpu.memory_space<hbm>>
      %dma_start3A_221 = arith.constant 0 : i32
      %dma_start3A_222 = arith.constant 0 : i32
      %dma_start3A_223 = tpu.memref_slice %arg2[%add3A, %dma_start3A_221, %dma_start3A_222] : memref<32x3x128xi32, #tpu.memory_space<hbm>> -> memref<1x3x128xi32, #tpu.memory_space<hbm>>
      %dma_start3A_224 = tpu.memref_squeeze %dma_start3A_223 : memref<1x3x128xi32, #tpu.memory_space<hbm>> -> memref<3x128xi32, #tpu.memory_space<hbm>>
      tpu.enqueue_dma source(%dma_start3A_224 : memref<3x128xi32, #tpu.memory_space<hbm>>) target(%arg9 : memref<3x128xi32, #tpu.memory_space<vmem>>) target_semaphore(%run_scoped3A : memref<!tpu.dma_semaphore, #tpu.memory_space<semaphore_mem>>)
      %dma_wait3A_225 = arith.constant 0 : i32
      %dma_wait3A_226 = arith.constant 0 : i32
      %dma_wait3A_227 = tpu.memref_slice %arg2[%add3A, %dma_wait3A_225, %dma_wait3A_226] : memref<32x3x128xi32, #tpu.memory_space<hbm>> -> memref<1x3x128xi32, #tpu.memory_space<hbm>>
      %dma_wait3A_228 = tpu.memref_squeeze %dma_wait3A_227 : memref<1x3x128xi32, #tpu.memory_space<hbm>> -> memref<3x128xi32, #tpu.memory_space<hbm>>
      %dma_wait3A_229 = arith.constant 0 : i32
      %dma_wait3A_230 = arith.constant 0 : i32
      %dma_wait3A_231 = tpu.memref_slice %arg2[%add3A, %dma_wait3A_229, %dma_wait3A_230] : memref<32x3x128xi32, #tpu.memory_space<hbm>> -> memref<1x3x128xi32, #tpu.memory_space<hbm>>
      %dma_wait3A_232 = tpu.memref_squeeze %dma_wait3A_231 : memref<1x3x128xi32, #tpu.memory_space<hbm>> -> memref<3x128xi32, #tpu.memory_space<hbm>>
      tpu.wait_dma2 semaphore(%run_scoped3A : memref<!tpu.dma_semaphore, #tpu.memory_space<semaphore_mem>>) src(%dma_wait3A_232 : memref<3x128xi32, #tpu.memory_space<hbm>>) dst(%arg9 : memref<3x128xi32, #tpu.memory_space<vmem>>)
      tpu.yield
    }) : () -> ()
    "tpu.region"() ({
      %run_scoped3A = tpu.sem_alloc : memref<!tpu.dma_semaphore, #tpu.memory_space<semaphore_mem>>
      %dma_start3A_217 = arith.constant 0 : i32
      %dma_start3A_218 = arith.constant 0 : i32
      %dma_start3A_219 = tpu.memref_slice %arg3[%add3A, %dma_start3A_217, %dma_start3A_218] : memref<32x3x128xi32, #tpu.memory_space<hbm>> -> memref<1x3x128xi32, #tpu.memory_space<hbm>>
      %dma_start3A_220 = tpu.memref_squeeze %dma_start3A_219 : memref<1x3x128xi32, #tpu.memory_space<hbm>> -> memref<3x128xi32, #tpu.memory_space<hbm>>
      %dma_start3A_221 = arith.constant 0 : i32
      %dma_start3A_222 = arith.constant 0 : i32
      %dma_start3A_223 = tpu.memref_slice %arg3[%add3A, %dma_start3A_221, %dma_start3A_222] : memref<32x3x128xi32, #tpu.memory_space<hbm>> -> memref<1x3x128xi32, #tpu.memory_space<hbm>>
      %dma_start3A_224 = tpu.memref_squeeze %dma_start3A_223 : memref<1x3x128xi32, #tpu.memory_space<hbm>> -> memref<3x128xi32, #tpu.memory_space<hbm>>
      tpu.enqueue_dma source(%dma_start3A_224 : memref<3x128xi32, #tpu.memory_space<hbm>>) target(%arg10 : memref<3x128xi32, #tpu.memory_space<vmem>>) target_semaphore(%run_scoped3A : memref<!tpu.dma_semaphore, #tpu.memory_space<semaphore_mem>>)
      %dma_wait3A_225 = arith.constant 0 : i32
      %dma_wait3A_226 = arith.constant 0 : i32
      %dma_wait3A_227 = tpu.memref_slice %arg3[%add3A, %dma_wait3A_225, %dma_wait3A_226] : memref<32x3x128xi32, #tpu.memory_space<hbm>> -> memref<1x3x128xi32, #tpu.memory_space<hbm>>
      %dma_wait3A_228 = tpu.memref_squeeze %dma_wait3A_227 : memref<1x3x128xi32, #tpu.memory_space<hbm>> -> memref<3x128xi32, #tpu.memory_space<hbm>>
      %dma_wait3A_229 = arith.constant 0 : i32
      %dma_wait3A_230 = arith.constant 0 : i32
      %dma_wait3A_231 = tpu.memref_slice %arg3[%add3A, %dma_wait3A_229, %dma_wait3A_230] : memref<32x3x128xi32, #tpu.memory_space<hbm>> -> memref<1x3x128xi32, #tpu.memory_space<hbm>>
      %dma_wait3A_232 = tpu.memref_squeeze %dma_wait3A_231 : memref<1x3x128xi32, #tpu.memory_space<hbm>> -> memref<3x128xi32, #tpu.memory_space<hbm>>
      tpu.wait_dma2 semaphore(%run_scoped3A : memref<!tpu.dma_semaphore, #tpu.memory_space<semaphore_mem>>) src(%dma_wait3A_232 : memref<3x128xi32, #tpu.memory_space<hbm>>) dst(%arg10 : memref<3x128xi32, #tpu.memory_space<vmem>>)
      tpu.yield
    }) : () -> ()
    %add3A_3 = arith.constant 0 : i32
    %add3A_4 = arith.addi %mul3A_2, %add3A_3 : i32
    %add3A_5 = arith.constant 128 : i32
    %add3A_6 = arith.addi %mul3A_2, %add3A_5 : i32
    %add3A_7 = arith.constant 256 : i32
    %add3A_8 = arith.addi %mul3A_2, %add3A_7 : i32
    %add3A_9 = arith.constant 0 : i32
    %add3A_10 = arith.addi %mul3A_2, %add3A_9 : i32
    %add3A_11 = arith.constant 128 : i32
    %add3A_12 = arith.addi %mul3A_2, %add3A_11 : i32
    %add3A_13 = arith.constant 256 : i32
    %add3A_14 = arith.addi %mul3A_2, %add3A_13 : i32
    %add3A_15 = arith.constant 0 : i32
    %add3A_16 = arith.addi %mul3A_2, %add3A_15 : i32
    %add3A_17 = arith.constant 128 : i32
    %add3A_18 = arith.addi %mul3A_2, %add3A_17 : i32
    %add3A_19 = arith.constant 256 : i32
    %add3A_20 = arith.addi %mul3A_2, %add3A_19 : i32
    %dma_start3A = arith.constant 0 : i32
    %dma_start3A_21 = arith.constant 0 : i32
    %dma_start3A_22 = tpu.memref_slice %arg9[%dma_start3A, %dma_start3A_21] : memref<3x128xi32, #tpu.memory_space<vmem>> -> memref<1x128xi32, #tpu.memory_space<vmem>>
    %dma_start3A_23 = tpu.memref_squeeze %dma_start3A_22 : memref<1x128xi32, #tpu.memory_space<vmem>> -> memref<128xi32, #tpu.memory_space<vmem>>
    %dma_start3A_24 = arith.constant 0 : i32
    %dma_start3A_25 = arith.constant 0 : i32
    %dma_start3A_26 = tpu.memref_slice %arg4[%dma_start3A_24, %dma_start3A_25] : memref<100000x128xf32, #tpu.memory_space<hbm>> -> memref<100000x128xf32, #tpu.memory_space<hbm>>
    tpu.enqueue_indirect_dma source(%dma_start3A_26 : memref<100000x128xf32, #tpu.memory_space<hbm>>) target(%arg11 : memref<128x128xf32, #tpu.memory_space<vmem>>) offsets(%dma_start3A_23 : memref<128xi32, #tpu.memory_space<vmem>>) semaphore(%arg17 : memref<!tpu.dma_semaphore, #tpu.memory_space<semaphore_mem>>)
    %dma_start3A_27 = arith.constant 1 : i32
    %dma_start3A_28 = arith.constant 0 : i32
    %dma_start3A_29 = tpu.memref_slice %arg9[%dma_start3A_27, %dma_start3A_28] : memref<3x128xi32, #tpu.memory_space<vmem>> -> memref<1x128xi32, #tpu.memory_space<vmem>>
    %dma_start3A_30 = tpu.memref_squeeze %dma_start3A_29 : memref<1x128xi32, #tpu.memory_space<vmem>> -> memref<128xi32, #tpu.memory_space<vmem>>
    %dma_start3A_31 = arith.constant 0 : i32
    %dma_start3A_32 = arith.constant 0 : i32
    %dma_start3A_33 = tpu.memref_slice %arg4[%dma_start3A_31, %dma_start3A_32] : memref<100000x128xf32, #tpu.memory_space<hbm>> -> memref<100000x128xf32, #tpu.memory_space<hbm>>
    tpu.enqueue_indirect_dma source(%dma_start3A_33 : memref<100000x128xf32, #tpu.memory_space<hbm>>) target(%arg12 : memref<128x128xf32, #tpu.memory_space<vmem>>) offsets(%dma_start3A_30 : memref<128xi32, #tpu.memory_space<vmem>>) semaphore(%arg18 : memref<!tpu.dma_semaphore, #tpu.memory_space<semaphore_mem>>)
    %dma_start3A_34 = arith.constant 2 : i32
    %dma_start3A_35 = arith.constant 0 : i32
    %dma_start3A_36 = tpu.memref_slice %arg9[%dma_start3A_34, %dma_start3A_35] : memref<3x128xi32, #tpu.memory_space<vmem>> -> memref<1x128xi32, #tpu.memory_space<vmem>>
    %dma_start3A_37 = tpu.memref_squeeze %dma_start3A_36 : memref<1x128xi32, #tpu.memory_space<vmem>> -> memref<128xi32, #tpu.memory_space<vmem>>
    %dma_start3A_38 = arith.constant 0 : i32
    %dma_start3A_39 = arith.constant 0 : i32
    %dma_start3A_40 = tpu.memref_slice %arg4[%dma_start3A_38, %dma_start3A_39] : memref<100000x128xf32, #tpu.memory_space<hbm>> -> memref<100000x128xf32, #tpu.memory_space<hbm>>
    tpu.enqueue_indirect_dma source(%dma_start3A_40 : memref<100000x128xf32, #tpu.memory_space<hbm>>) target(%arg13 : memref<128x128xf32, #tpu.memory_space<vmem>>) offsets(%dma_start3A_37 : memref<128xi32, #tpu.memory_space<vmem>>) semaphore(%arg19 : memref<!tpu.dma_semaphore, #tpu.memory_space<semaphore_mem>>)
    %dma_start3A_41 = arith.constant 0 : i32
    %dma_start3A_42 = arith.constant 0 : i32
    %dma_start3A_43 = tpu.memref_slice %arg10[%dma_start3A_41, %dma_start3A_42] : memref<3x128xi32, #tpu.memory_space<vmem>> -> memref<1x128xi32, #tpu.memory_space<vmem>>
    %dma_start3A_44 = tpu.memref_squeeze %dma_start3A_43 : memref<1x128xi32, #tpu.memory_space<vmem>> -> memref<128xi32, #tpu.memory_space<vmem>>
    %dma_start3A_45 = arith.constant 0 : i32
    %dma_start3A_46 = arith.constant 0 : i32
    %dma_start3A_47 = tpu.memref_slice %arg5[%dma_start3A_45, %dma_start3A_46] : memref<100000x128xf32, #tpu.memory_space<hbm>> -> memref<100000x128xf32, #tpu.memory_space<hbm>>
    tpu.enqueue_indirect_dma source(%dma_start3A_47 : memref<100000x128xf32, #tpu.memory_space<hbm>>) target(%arg14 : memref<128x128xf32, #tpu.memory_space<vmem>>) offsets(%dma_start3A_44 : memref<128xi32, #tpu.memory_space<vmem>>) semaphore(%arg20 : memref<!tpu.dma_semaphore, #tpu.memory_space<semaphore_mem>>)
    %dma_start3A_48 = arith.constant 1 : i32
    %dma_start3A_49 = arith.constant 0 : i32
    %dma_start3A_50 = tpu.memref_slice %arg10[%dma_start3A_48, %dma_start3A_49] : memref<3x128xi32, #tpu.memory_space<vmem>> -> memref<1x128xi32, #tpu.memory_space<vmem>>
    %dma_start3A_51 = tpu.memref_squeeze %dma_start3A_50 : memref<1x128xi32, #tpu.memory_space<vmem>> -> memref<128xi32, #tpu.memory_space<vmem>>
    %dma_start3A_52 = arith.constant 0 : i32
    %dma_start3A_53 = arith.constant 0 : i32
    %dma_start3A_54 = tpu.memref_slice %arg5[%dma_start3A_52, %dma_start3A_53] : memref<100000x128xf32, #tpu.memory_space<hbm>> -> memref<100000x128xf32, #tpu.memory_space<hbm>>
    tpu.enqueue_indirect_dma source(%dma_start3A_54 : memref<100000x128xf32, #tpu.memory_space<hbm>>) target(%arg15 : memref<128x128xf32, #tpu.memory_space<vmem>>) offsets(%dma_start3A_51 : memref<128xi32, #tpu.memory_space<vmem>>) semaphore(%arg21 : memref<!tpu.dma_semaphore, #tpu.memory_space<semaphore_mem>>)
    %dma_start3A_55 = arith.constant 2 : i32
    %dma_start3A_56 = arith.constant 0 : i32
    %dma_start3A_57 = tpu.memref_slice %arg10[%dma_start3A_55, %dma_start3A_56] : memref<3x128xi32, #tpu.memory_space<vmem>> -> memref<1x128xi32, #tpu.memory_space<vmem>>
    %dma_start3A_58 = tpu.memref_squeeze %dma_start3A_57 : memref<1x128xi32, #tpu.memory_space<vmem>> -> memref<128xi32, #tpu.memory_space<vmem>>
    %dma_start3A_59 = arith.constant 0 : i32
    %dma_start3A_60 = arith.constant 0 : i32
    %dma_start3A_61 = tpu.memref_slice %arg5[%dma_start3A_59, %dma_start3A_60] : memref<100000x128xf32, #tpu.memory_space<hbm>> -> memref<100000x128xf32, #tpu.memory_space<hbm>>
    tpu.enqueue_indirect_dma source(%dma_start3A_61 : memref<100000x128xf32, #tpu.memory_space<hbm>>) target(%arg16 : memref<128x128xf32, #tpu.memory_space<vmem>>) offsets(%dma_start3A_58 : memref<128xi32, #tpu.memory_space<vmem>>) semaphore(%arg22 : memref<!tpu.dma_semaphore, #tpu.memory_space<semaphore_mem>>)
    %dma_wait3A = arith.constant 0 : i32
    %dma_wait3A_62 = arith.constant 0 : i32
    %dma_wait3A_63 = tpu.memref_slice %arg9[%dma_wait3A, %dma_wait3A_62] : memref<3x128xi32, #tpu.memory_space<vmem>> -> memref<1x128xi32, #tpu.memory_space<vmem>>
    %dma_wait3A_64 = tpu.memref_squeeze %dma_wait3A_63 : memref<1x128xi32, #tpu.memory_space<vmem>> -> memref<128xi32, #tpu.memory_space<vmem>>
    %dma_wait3A_65 = arith.constant 0 : i32
    %dma_wait3A_66 = arith.constant 0 : i32
    %dma_wait3A_67 = tpu.memref_slice %arg4[%dma_wait3A_65, %dma_wait3A_66] : memref<100000x128xf32, #tpu.memory_space<hbm>> -> memref<100000x128xf32, #tpu.memory_space<hbm>>
    tpu.wait_indirect_dma semaphore(%arg17 : memref<!tpu.dma_semaphore, #tpu.memory_space<semaphore_mem>>) src(%dma_wait3A_67 : memref<100000x128xf32, #tpu.memory_space<hbm>>) dst(%arg11 : memref<128x128xf32, #tpu.memory_space<vmem>>)
    %dma_start3A_68 = arith.constant 0 : i32
    %dma_start3A_69 = tpu.memref_slice %arg6[%add3A_4, %dma_start3A_68] : memref<12288x128xf32, #tpu.memory_space<hbm>> -> memref<128x128xf32, #tpu.memory_space<hbm>>
    %dma_start3A_70 = arith.constant 0 : i32
    %dma_start3A_71 = tpu.memref_slice %arg6[%add3A_4, %dma_start3A_70] : memref<12288x128xf32, #tpu.memory_space<hbm>> -> memref<128x128xf32, #tpu.memory_space<hbm>>
    tpu.enqueue_dma source(%arg11 : memref<128x128xf32, #tpu.memory_space<vmem>>) target(%dma_start3A_71 : memref<128x128xf32, #tpu.memory_space<hbm>>) target_semaphore(%arg23 : memref<!tpu.dma_semaphore, #tpu.memory_space<semaphore_mem>>)
    %dma_wait3A_72 = arith.constant 0 : i32
    %dma_wait3A_73 = tpu.memref_slice %arg6[%add3A_4, %dma_wait3A_72] : memref<12288x128xf32, #tpu.memory_space<hbm>> -> memref<128x128xf32, #tpu.memory_space<hbm>>
    %dma_wait3A_74 = arith.constant 0 : i32
    %dma_wait3A_75 = tpu.memref_slice %arg6[%add3A_4, %dma_wait3A_74] : memref<12288x128xf32, #tpu.memory_space<hbm>> -> memref<128x128xf32, #tpu.memory_space<hbm>>
    tpu.wait_dma2 semaphore(%arg23 : memref<!tpu.dma_semaphore, #tpu.memory_space<semaphore_mem>>) src(%arg11 : memref<128x128xf32, #tpu.memory_space<vmem>>) dst(%dma_wait3A_75 : memref<128x128xf32, #tpu.memory_space<hbm>>)
    %dma_start3A_76 = arith.constant 0 : i32
    %dma_start3A_77 = arith.constant 0 : i32
    %dma_start3A_78 = tpu.memref_slice %arg10[%dma_start3A_76, %dma_start3A_77] : memref<3x128xi32, #tpu.memory_space<vmem>> -> memref<1x128xi32, #tpu.memory_space<vmem>>
    %dma_start3A_79 = tpu.memref_squeeze %dma_start3A_78 : memref<1x128xi32, #tpu.memory_space<vmem>> -> memref<128xi32, #tpu.memory_space<vmem>>
    %dma_start3A_80 = arith.constant 0 : i32
    %dma_start3A_81 = arith.constant 0 : i32
    %dma_start3A_82 = tpu.memref_slice %arg4[%dma_start3A_80, %dma_start3A_81] : memref<100000x128xf32, #tpu.memory_space<hbm>> -> memref<100000x128xf32, #tpu.memory_space<hbm>>
    tpu.enqueue_indirect_dma source(%dma_start3A_82 : memref<100000x128xf32, #tpu.memory_space<hbm>>) target(%arg11 : memref<128x128xf32, #tpu.memory_space<vmem>>) offsets(%dma_start3A_79 : memref<128xi32, #tpu.memory_space<vmem>>) semaphore(%arg17 : memref<!tpu.dma_semaphore, #tpu.memory_space<semaphore_mem>>)
    %dma_wait3A_83 = arith.constant 1 : i32
    %dma_wait3A_84 = arith.constant 0 : i32
    %dma_wait3A_85 = tpu.memref_slice %arg9[%dma_wait3A_83, %dma_wait3A_84] : memref<3x128xi32, #tpu.memory_space<vmem>> -> memref<1x128xi32, #tpu.memory_space<vmem>>
    %dma_wait3A_86 = tpu.memref_squeeze %dma_wait3A_85 : memref<1x128xi32, #tpu.memory_space<vmem>> -> memref<128xi32, #tpu.memory_space<vmem>>
    %dma_wait3A_87 = arith.constant 0 : i32
    %dma_wait3A_88 = arith.constant 0 : i32
    %dma_wait3A_89 = tpu.memref_slice %arg4[%dma_wait3A_87, %dma_wait3A_88] : memref<100000x128xf32, #tpu.memory_space<hbm>> -> memref<100000x128xf32, #tpu.memory_space<hbm>>
    tpu.wait_indirect_dma semaphore(%arg18 : memref<!tpu.dma_semaphore, #tpu.memory_space<semaphore_mem>>) src(%dma_wait3A_89 : memref<100000x128xf32, #tpu.memory_space<hbm>>) dst(%arg12 : memref<128x128xf32, #tpu.memory_space<vmem>>)
    %dma_start3A_90 = arith.constant 0 : i32
    %dma_start3A_91 = tpu.memref_slice %arg6[%add3A_6, %dma_start3A_90] : memref<12288x128xf32, #tpu.memory_space<hbm>> -> memref<128x128xf32, #tpu.memory_space<hbm>>
    %dma_start3A_92 = arith.constant 0 : i32
    %dma_start3A_93 = tpu.memref_slice %arg6[%add3A_6, %dma_start3A_92] : memref<12288x128xf32, #tpu.memory_space<hbm>> -> memref<128x128xf32, #tpu.memory_space<hbm>>
    tpu.enqueue_dma source(%arg12 : memref<128x128xf32, #tpu.memory_space<vmem>>) target(%dma_start3A_93 : memref<128x128xf32, #tpu.memory_space<hbm>>) target_semaphore(%arg24 : memref<!tpu.dma_semaphore, #tpu.memory_space<semaphore_mem>>)
    %dma_wait3A_94 = arith.constant 0 : i32
    %dma_wait3A_95 = tpu.memref_slice %arg6[%add3A_6, %dma_wait3A_94] : memref<12288x128xf32, #tpu.memory_space<hbm>> -> memref<128x128xf32, #tpu.memory_space<hbm>>
    %dma_wait3A_96 = arith.constant 0 : i32
    %dma_wait3A_97 = tpu.memref_slice %arg6[%add3A_6, %dma_wait3A_96] : memref<12288x128xf32, #tpu.memory_space<hbm>> -> memref<128x128xf32, #tpu.memory_space<hbm>>
    tpu.wait_dma2 semaphore(%arg24 : memref<!tpu.dma_semaphore, #tpu.memory_space<semaphore_mem>>) src(%arg12 : memref<128x128xf32, #tpu.memory_space<vmem>>) dst(%dma_wait3A_97 : memref<128x128xf32, #tpu.memory_space<hbm>>)
    %dma_start3A_98 = arith.constant 1 : i32
    %dma_start3A_99 = arith.constant 0 : i32
    %dma_start3A_100 = tpu.memref_slice %arg10[%dma_start3A_98, %dma_start3A_99] : memref<3x128xi32, #tpu.memory_space<vmem>> -> memref<1x128xi32, #tpu.memory_space<vmem>>
    %dma_start3A_101 = tpu.memref_squeeze %dma_start3A_100 : memref<1x128xi32, #tpu.memory_space<vmem>> -> memref<128xi32, #tpu.memory_space<vmem>>
    %dma_start3A_102 = arith.constant 0 : i32
    %dma_start3A_103 = arith.constant 0 : i32
    %dma_start3A_104 = tpu.memref_slice %arg4[%dma_start3A_102, %dma_start3A_103] : memref<100000x128xf32, #tpu.memory_space<hbm>> -> memref<100000x128xf32, #tpu.memory_space<hbm>>
    tpu.enqueue_indirect_dma source(%dma_start3A_104 : memref<100000x128xf32, #tpu.memory_space<hbm>>) target(%arg12 : memref<128x128xf32, #tpu.memory_space<vmem>>) offsets(%dma_start3A_101 : memref<128xi32, #tpu.memory_space<vmem>>) semaphore(%arg18 : memref<!tpu.dma_semaphore, #tpu.memory_space<semaphore_mem>>)
    %dma_wait3A_105 = arith.constant 2 : i32
    %dma_wait3A_106 = arith.constant 0 : i32
    %dma_wait3A_107 = tpu.memref_slice %arg9[%dma_wait3A_105, %dma_wait3A_106] : memref<3x128xi32, #tpu.memory_space<vmem>> -> memref<1x128xi32, #tpu.memory_space<vmem>>
    %dma_wait3A_108 = tpu.memref_squeeze %dma_wait3A_107 : memref<1x128xi32, #tpu.memory_space<vmem>> -> memref<128xi32, #tpu.memory_space<vmem>>
    %dma_wait3A_109 = arith.constant 0 : i32
    %dma_wait3A_110 = arith.constant 0 : i32
    %dma_wait3A_111 = tpu.memref_slice %arg4[%dma_wait3A_109, %dma_wait3A_110] : memref<100000x128xf32, #tpu.memory_space<hbm>> -> memref<100000x128xf32, #tpu.memory_space<hbm>>
    tpu.wait_indirect_dma semaphore(%arg19 : memref<!tpu.dma_semaphore, #tpu.memory_space<semaphore_mem>>) src(%dma_wait3A_111 : memref<100000x128xf32, #tpu.memory_space<hbm>>) dst(%arg13 : memref<128x128xf32, #tpu.memory_space<vmem>>)
    %dma_start3A_112 = arith.constant 0 : i32
    %dma_start3A_113 = tpu.memref_slice %arg6[%add3A_8, %dma_start3A_112] : memref<12288x128xf32, #tpu.memory_space<hbm>> -> memref<128x128xf32, #tpu.memory_space<hbm>>
    %dma_start3A_114 = arith.constant 0 : i32
    %dma_start3A_115 = tpu.memref_slice %arg6[%add3A_8, %dma_start3A_114] : memref<12288x128xf32, #tpu.memory_space<hbm>> -> memref<128x128xf32, #tpu.memory_space<hbm>>
    tpu.enqueue_dma source(%arg13 : memref<128x128xf32, #tpu.memory_space<vmem>>) target(%dma_start3A_115 : memref<128x128xf32, #tpu.memory_space<hbm>>) target_semaphore(%arg25 : memref<!tpu.dma_semaphore, #tpu.memory_space<semaphore_mem>>)
    %dma_wait3A_116 = arith.constant 0 : i32
    %dma_wait3A_117 = tpu.memref_slice %arg6[%add3A_8, %dma_wait3A_116] : memref<12288x128xf32, #tpu.memory_space<hbm>> -> memref<128x128xf32, #tpu.memory_space<hbm>>
    %dma_wait3A_118 = arith.constant 0 : i32
    %dma_wait3A_119 = tpu.memref_slice %arg6[%add3A_8, %dma_wait3A_118] : memref<12288x128xf32, #tpu.memory_space<hbm>> -> memref<128x128xf32, #tpu.memory_space<hbm>>
    tpu.wait_dma2 semaphore(%arg25 : memref<!tpu.dma_semaphore, #tpu.memory_space<semaphore_mem>>) src(%arg13 : memref<128x128xf32, #tpu.memory_space<vmem>>) dst(%dma_wait3A_119 : memref<128x128xf32, #tpu.memory_space<hbm>>)
    %dma_start3A_120 = arith.constant 2 : i32
    %dma_start3A_121 = arith.constant 0 : i32
    %dma_start3A_122 = tpu.memref_slice %arg10[%dma_start3A_120, %dma_start3A_121] : memref<3x128xi32, #tpu.memory_space<vmem>> -> memref<1x128xi32, #tpu.memory_space<vmem>>
    %dma_start3A_123 = tpu.memref_squeeze %dma_start3A_122 : memref<1x128xi32, #tpu.memory_space<vmem>> -> memref<128xi32, #tpu.memory_space<vmem>>
    %dma_start3A_124 = arith.constant 0 : i32
    %dma_start3A_125 = arith.constant 0 : i32
    %dma_start3A_126 = tpu.memref_slice %arg4[%dma_start3A_124, %dma_start3A_125] : memref<100000x128xf32, #tpu.memory_space<hbm>> -> memref<100000x128xf32, #tpu.memory_space<hbm>>
    tpu.enqueue_indirect_dma source(%dma_start3A_126 : memref<100000x128xf32, #tpu.memory_space<hbm>>) target(%arg13 : memref<128x128xf32, #tpu.memory_space<vmem>>) offsets(%dma_start3A_123 : memref<128xi32, #tpu.memory_space<vmem>>) semaphore(%arg19 : memref<!tpu.dma_semaphore, #tpu.memory_space<semaphore_mem>>)
    %dma_wait3A_127 = arith.constant 0 : i32
    %dma_wait3A_128 = arith.constant 0 : i32
    %dma_wait3A_129 = tpu.memref_slice %arg10[%dma_wait3A_127, %dma_wait3A_128] : memref<3x128xi32, #tpu.memory_space<vmem>> -> memref<1x128xi32, #tpu.memory_space<vmem>>
    %dma_wait3A_130 = tpu.memref_squeeze %dma_wait3A_129 : memref<1x128xi32, #tpu.memory_space<vmem>> -> memref<128xi32, #tpu.memory_space<vmem>>
    %dma_wait3A_131 = arith.constant 0 : i32
    %dma_wait3A_132 = arith.constant 0 : i32
    %dma_wait3A_133 = tpu.memref_slice %arg5[%dma_wait3A_131, %dma_wait3A_132] : memref<100000x128xf32, #tpu.memory_space<hbm>> -> memref<100000x128xf32, #tpu.memory_space<hbm>>
    tpu.wait_indirect_dma semaphore(%arg20 : memref<!tpu.dma_semaphore, #tpu.memory_space<semaphore_mem>>) src(%dma_wait3A_133 : memref<100000x128xf32, #tpu.memory_space<hbm>>) dst(%arg14 : memref<128x128xf32, #tpu.memory_space<vmem>>)
    %dma_start3A_134 = arith.constant 0 : i32
    %dma_start3A_135 = tpu.memref_slice %arg7[%add3A_10, %dma_start3A_134] : memref<12288x128xf32, #tpu.memory_space<hbm>> -> memref<128x128xf32, #tpu.memory_space<hbm>>
    %dma_start3A_136 = arith.constant 0 : i32
    %dma_start3A_137 = tpu.memref_slice %arg7[%add3A_10, %dma_start3A_136] : memref<12288x128xf32, #tpu.memory_space<hbm>> -> memref<128x128xf32, #tpu.memory_space<hbm>>
    tpu.enqueue_dma source(%arg14 : memref<128x128xf32, #tpu.memory_space<vmem>>) target(%dma_start3A_137 : memref<128x128xf32, #tpu.memory_space<hbm>>) target_semaphore(%arg26 : memref<!tpu.dma_semaphore, #tpu.memory_space<semaphore_mem>>)
    %dma_wait3A_138 = arith.constant 1 : i32
    %dma_wait3A_139 = arith.constant 0 : i32
    %dma_wait3A_140 = tpu.memref_slice %arg10[%dma_wait3A_138, %dma_wait3A_139] : memref<3x128xi32, #tpu.memory_space<vmem>> -> memref<1x128xi32, #tpu.memory_space<vmem>>
    %dma_wait3A_141 = tpu.memref_squeeze %dma_wait3A_140 : memref<1x128xi32, #tpu.memory_space<vmem>> -> memref<128xi32, #tpu.memory_space<vmem>>
    %dma_wait3A_142 = arith.constant 0 : i32
    %dma_wait3A_143 = arith.constant 0 : i32
    %dma_wait3A_144 = tpu.memref_slice %arg5[%dma_wait3A_142, %dma_wait3A_143] : memref<100000x128xf32, #tpu.memory_space<hbm>> -> memref<100000x128xf32, #tpu.memory_space<hbm>>
    tpu.wait_indirect_dma semaphore(%arg21 : memref<!tpu.dma_semaphore, #tpu.memory_space<semaphore_mem>>) src(%dma_wait3A_144 : memref<100000x128xf32, #tpu.memory_space<hbm>>) dst(%arg15 : memref<128x128xf32, #tpu.memory_space<vmem>>)
    %dma_start3A_145 = arith.constant 0 : i32
    %dma_start3A_146 = tpu.memref_slice %arg7[%add3A_12, %dma_start3A_145] : memref<12288x128xf32, #tpu.memory_space<hbm>> -> memref<128x128xf32, #tpu.memory_space<hbm>>
    %dma_start3A_147 = arith.constant 0 : i32
    %dma_start3A_148 = tpu.memref_slice %arg7[%add3A_12, %dma_start3A_147] : memref<12288x128xf32, #tpu.memory_space<hbm>> -> memref<128x128xf32, #tpu.memory_space<hbm>>
    tpu.enqueue_dma source(%arg15 : memref<128x128xf32, #tpu.memory_space<vmem>>) target(%dma_start3A_148 : memref<128x128xf32, #tpu.memory_space<hbm>>) target_semaphore(%arg27 : memref<!tpu.dma_semaphore, #tpu.memory_space<semaphore_mem>>)
    %dma_wait3A_149 = arith.constant 2 : i32
    %dma_wait3A_150 = arith.constant 0 : i32
    %dma_wait3A_151 = tpu.memref_slice %arg10[%dma_wait3A_149, %dma_wait3A_150] : memref<3x128xi32, #tpu.memory_space<vmem>> -> memref<1x128xi32, #tpu.memory_space<vmem>>
    %dma_wait3A_152 = tpu.memref_squeeze %dma_wait3A_151 : memref<1x128xi32, #tpu.memory_space<vmem>> -> memref<128xi32, #tpu.memory_space<vmem>>
    %dma_wait3A_153 = arith.constant 0 : i32
    %dma_wait3A_154 = arith.constant 0 : i32
    %dma_wait3A_155 = tpu.memref_slice %arg5[%dma_wait3A_153, %dma_wait3A_154] : memref<100000x128xf32, #tpu.memory_space<hbm>> -> memref<100000x128xf32, #tpu.memory_space<hbm>>
    tpu.wait_indirect_dma semaphore(%arg22 : memref<!tpu.dma_semaphore, #tpu.memory_space<semaphore_mem>>) src(%dma_wait3A_155 : memref<100000x128xf32, #tpu.memory_space<hbm>>) dst(%arg16 : memref<128x128xf32, #tpu.memory_space<vmem>>)
    %dma_start3A_156 = arith.constant 0 : i32
    %dma_start3A_157 = tpu.memref_slice %arg7[%add3A_14, %dma_start3A_156] : memref<12288x128xf32, #tpu.memory_space<hbm>> -> memref<128x128xf32, #tpu.memory_space<hbm>>
    %dma_start3A_158 = arith.constant 0 : i32
    %dma_start3A_159 = tpu.memref_slice %arg7[%add3A_14, %dma_start3A_158] : memref<12288x128xf32, #tpu.memory_space<hbm>> -> memref<128x128xf32, #tpu.memory_space<hbm>>
    tpu.enqueue_dma source(%arg16 : memref<128x128xf32, #tpu.memory_space<vmem>>) target(%dma_start3A_159 : memref<128x128xf32, #tpu.memory_space<hbm>>) target_semaphore(%arg28 : memref<!tpu.dma_semaphore, #tpu.memory_space<semaphore_mem>>)
    %dma_wait3A_160 = arith.constant 0 : i32
    %dma_wait3A_161 = arith.constant 0 : i32
    %dma_wait3A_162 = tpu.memref_slice %arg10[%dma_wait3A_160, %dma_wait3A_161] : memref<3x128xi32, #tpu.memory_space<vmem>> -> memref<1x128xi32, #tpu.memory_space<vmem>>
    %dma_wait3A_163 = tpu.memref_squeeze %dma_wait3A_162 : memref<1x128xi32, #tpu.memory_space<vmem>> -> memref<128xi32, #tpu.memory_space<vmem>>
    %dma_wait3A_164 = arith.constant 0 : i32
    %dma_wait3A_165 = arith.constant 0 : i32
    %dma_wait3A_166 = tpu.memref_slice %arg4[%dma_wait3A_164, %dma_wait3A_165] : memref<100000x128xf32, #tpu.memory_space<hbm>> -> memref<100000x128xf32, #tpu.memory_space<hbm>>
    tpu.wait_indirect_dma semaphore(%arg17 : memref<!tpu.dma_semaphore, #tpu.memory_space<semaphore_mem>>) src(%dma_wait3A_166 : memref<100000x128xf32, #tpu.memory_space<hbm>>) dst(%arg11 : memref<128x128xf32, #tpu.memory_space<vmem>>)
    %dma_start3A_167 = arith.constant 0 : i32
    %dma_start3A_168 = tpu.memref_slice %arg8[%add3A_16, %dma_start3A_167] : memref<12288x128xf32, #tpu.memory_space<hbm>> -> memref<128x128xf32, #tpu.memory_space<hbm>>
    %dma_start3A_169 = arith.constant 0 : i32
    %dma_start3A_170 = tpu.memref_slice %arg8[%add3A_16, %dma_start3A_169] : memref<12288x128xf32, #tpu.memory_space<hbm>> -> memref<128x128xf32, #tpu.memory_space<hbm>>
    tpu.enqueue_dma source(%arg11 : memref<128x128xf32, #tpu.memory_space<vmem>>) target(%dma_start3A_170 : memref<128x128xf32, #tpu.memory_space<hbm>>) target_semaphore(%arg23 : memref<!tpu.dma_semaphore, #tpu.memory_space<semaphore_mem>>)
    %dma_wait3A_171 = arith.constant 1 : i32
    %dma_wait3A_172 = arith.constant 0 : i32
    %dma_wait3A_173 = tpu.memref_slice %arg10[%dma_wait3A_171, %dma_wait3A_172] : memref<3x128xi32, #tpu.memory_space<vmem>> -> memref<1x128xi32, #tpu.memory_space<vmem>>
    %dma_wait3A_174 = tpu.memref_squeeze %dma_wait3A_173 : memref<1x128xi32, #tpu.memory_space<vmem>> -> memref<128xi32, #tpu.memory_space<vmem>>
    %dma_wait3A_175 = arith.constant 0 : i32
    %dma_wait3A_176 = arith.constant 0 : i32
    %dma_wait3A_177 = tpu.memref_slice %arg4[%dma_wait3A_175, %dma_wait3A_176] : memref<100000x128xf32, #tpu.memory_space<hbm>> -> memref<100000x128xf32, #tpu.memory_space<hbm>>
    tpu.wait_indirect_dma semaphore(%arg18 : memref<!tpu.dma_semaphore, #tpu.memory_space<semaphore_mem>>) src(%dma_wait3A_177 : memref<100000x128xf32, #tpu.memory_space<hbm>>) dst(%arg12 : memref<128x128xf32, #tpu.memory_space<vmem>>)
    %dma_start3A_178 = arith.constant 0 : i32
    %dma_start3A_179 = tpu.memref_slice %arg8[%add3A_18, %dma_start3A_178] : memref<12288x128xf32, #tpu.memory_space<hbm>> -> memref<128x128xf32, #tpu.memory_space<hbm>>
    %dma_start3A_180 = arith.constant 0 : i32
    %dma_start3A_181 = tpu.memref_slice %arg8[%add3A_18, %dma_start3A_180] : memref<12288x128xf32, #tpu.memory_space<hbm>> -> memref<128x128xf32, #tpu.memory_space<hbm>>
    tpu.enqueue_dma source(%arg12 : memref<128x128xf32, #tpu.memory_space<vmem>>) target(%dma_start3A_181 : memref<128x128xf32, #tpu.memory_space<hbm>>) target_semaphore(%arg24 : memref<!tpu.dma_semaphore, #tpu.memory_space<semaphore_mem>>)
    %dma_wait3A_182 = arith.constant 2 : i32
    %dma_wait3A_183 = arith.constant 0 : i32
    %dma_wait3A_184 = tpu.memref_slice %arg10[%dma_wait3A_182, %dma_wait3A_183] : memref<3x128xi32, #tpu.memory_space<vmem>> -> memref<1x128xi32, #tpu.memory_space<vmem>>
    %dma_wait3A_185 = tpu.memref_squeeze %dma_wait3A_184 : memref<1x128xi32, #tpu.memory_space<vmem>> -> memref<128xi32, #tpu.memory_space<vmem>>
    %dma_wait3A_186 = arith.constant 0 : i32
    %dma_wait3A_187 = arith.constant 0 : i32
    %dma_wait3A_188 = tpu.memref_slice %arg4[%dma_wait3A_186, %dma_wait3A_187] : memref<100000x128xf32, #tpu.memory_space<hbm>> -> memref<100000x128xf32, #tpu.memory_space<hbm>>
    tpu.wait_indirect_dma semaphore(%arg19 : memref<!tpu.dma_semaphore, #tpu.memory_space<semaphore_mem>>) src(%dma_wait3A_188 : memref<100000x128xf32, #tpu.memory_space<hbm>>) dst(%arg13 : memref<128x128xf32, #tpu.memory_space<vmem>>)
    %dma_start3A_189 = arith.constant 0 : i32
    %dma_start3A_190 = tpu.memref_slice %arg8[%add3A_20, %dma_start3A_189] : memref<12288x128xf32, #tpu.memory_space<hbm>> -> memref<128x128xf32, #tpu.memory_space<hbm>>
    %dma_start3A_191 = arith.constant 0 : i32
    %dma_start3A_192 = tpu.memref_slice %arg8[%add3A_20, %dma_start3A_191] : memref<12288x128xf32, #tpu.memory_space<hbm>> -> memref<128x128xf32, #tpu.memory_space<hbm>>
    tpu.enqueue_dma source(%arg13 : memref<128x128xf32, #tpu.memory_space<vmem>>) target(%dma_start3A_192 : memref<128x128xf32, #tpu.memory_space<hbm>>) target_semaphore(%arg25 : memref<!tpu.dma_semaphore, #tpu.memory_space<semaphore_mem>>)
    %dma_wait3A_193 = arith.constant 0 : i32
    %dma_wait3A_194 = tpu.memref_slice %arg7[%add3A_10, %dma_wait3A_193] : memref<12288x128xf32, #tpu.memory_space<hbm>> -> memref<128x128xf32, #tpu.memory_space<hbm>>
    %dma_wait3A_195 = arith.constant 0 : i32
    %dma_wait3A_196 = tpu.memref_slice %arg7[%add3A_10, %dma_wait3A_195] : memref<12288x128xf32, #tpu.memory_space<hbm>> -> memref<128x128xf32, #tpu.memory_space<hbm>>
    tpu.wait_dma2 semaphore(%arg26 : memref<!tpu.dma_semaphore, #tpu.memory_space<semaphore_mem>>) src(%arg14 : memref<128x128xf32, #tpu.memory_space<vmem>>) dst(%dma_wait3A_196 : memref<128x128xf32, #tpu.memory_space<hbm>>)
    %dma_wait3A_197 = arith.constant 0 : i32
    %dma_wait3A_198 = tpu.memref_slice %arg7[%add3A_12, %dma_wait3A_197] : memref<12288x128xf32, #tpu.memory_space<hbm>> -> memref<128x128xf32, #tpu.memory_space<hbm>>
    %dma_wait3A_199 = arith.constant 0 : i32
    %dma_wait3A_200 = tpu.memref_slice %arg7[%add3A_12, %dma_wait3A_199] : memref<12288x128xf32, #tpu.memory_space<hbm>> -> memref<128x128xf32, #tpu.memory_space<hbm>>
    tpu.wait_dma2 semaphore(%arg27 : memref<!tpu.dma_semaphore, #tpu.memory_space<semaphore_mem>>) src(%arg15 : memref<128x128xf32, #tpu.memory_space<vmem>>) dst(%dma_wait3A_200 : memref<128x128xf32, #tpu.memory_space<hbm>>)
    %dma_wait3A_201 = arith.constant 0 : i32
    %dma_wait3A_202 = tpu.memref_slice %arg7[%add3A_14, %dma_wait3A_201] : memref<12288x128xf32, #tpu.memory_space<hbm>> -> memref<128x128xf32, #tpu.memory_space<hbm>>
    %dma_wait3A_203 = arith.constant 0 : i32
    %dma_wait3A_204 = tpu.memref_slice %arg7[%add3A_14, %dma_wait3A_203] : memref<12288x128xf32, #tpu.memory_space<hbm>> -> memref<128x128xf32, #tpu.memory_space<hbm>>
    tpu.wait_dma2 semaphore(%arg28 : memref<!tpu.dma_semaphore, #tpu.memory_space<semaphore_mem>>) src(%arg16 : memref<128x128xf32, #tpu.memory_space<vmem>>) dst(%dma_wait3A_204 : memref<128x128xf32, #tpu.memory_space<hbm>>)
    %dma_wait3A_205 = arith.constant 0 : i32
    %dma_wait3A_206 = tpu.memref_slice %arg8[%add3A_16, %dma_wait3A_205] : memref<12288x128xf32, #tpu.memory_space<hbm>> -> memref<128x128xf32, #tpu.memory_space<hbm>>
    %dma_wait3A_207 = arith.constant 0 : i32
    %dma_wait3A_208 = tpu.memref_slice %arg8[%add3A_16, %dma_wait3A_207] : memref<12288x128xf32, #tpu.memory_space<hbm>> -> memref<128x128xf32, #tpu.memory_space<hbm>>
    tpu.wait_dma2 semaphore(%arg23 : memref<!tpu.dma_semaphore, #tpu.memory_space<semaphore_mem>>) src(%arg11 : memref<128x128xf32, #tpu.memory_space<vmem>>) dst(%dma_wait3A_208 : memref<128x128xf32, #tpu.memory_space<hbm>>)
    %dma_wait3A_209 = arith.constant 0 : i32
    %dma_wait3A_210 = tpu.memref_slice %arg8[%add3A_18, %dma_wait3A_209] : memref<12288x128xf32, #tpu.memory_space<hbm>> -> memref<128x128xf32, #tpu.memory_space<hbm>>
    %dma_wait3A_211 = arith.constant 0 : i32
    %dma_wait3A_212 = tpu.memref_slice %arg8[%add3A_18, %dma_wait3A_211] : memref<12288x128xf32, #tpu.memory_space<hbm>> -> memref<128x128xf32, #tpu.memory_space<hbm>>
    tpu.wait_dma2 semaphore(%arg24 : memref<!tpu.dma_semaphore, #tpu.memory_space<semaphore_mem>>) src(%arg12 : memref<128x128xf32, #tpu.memory_space<vmem>>) dst(%dma_wait3A_212 : memref<128x128xf32, #tpu.memory_space<hbm>>)
    %dma_wait3A_213 = arith.constant 0 : i32
    %dma_wait3A_214 = tpu.memref_slice %arg8[%add3A_20, %dma_wait3A_213] : memref<12288x128xf32, #tpu.memory_space<hbm>> -> memref<128x128xf32, #tpu.memory_space<hbm>>
    %dma_wait3A_215 = arith.constant 0 : i32
    %dma_wait3A_216 = tpu.memref_slice %arg8[%add3A_20, %dma_wait3A_215] : memref<12288x128xf32, #tpu.memory_space<hbm>> -> memref<128x128xf32, #tpu.memory_space<hbm>>
    tpu.wait_dma2 semaphore(%arg25 : memref<!tpu.dma_semaphore, #tpu.memory_space<semaphore_mem>>) src(%arg13 : memref<128x128xf32, #tpu.memory_space<vmem>>) dst(%dma_wait3A_216 : memref<128x128xf32, #tpu.memory_space<hbm>>)
    return
  }
}

module attributes {stable_mosaic.version = 14 : i64} {
  func.func @_tc_body(%arg0: i32, %arg1: memref<2x16xi32, #tpu.memory_space<smem>>, %arg2: memref<3x256x128xf32, #tpu.memory_space<vmem>>, %arg3: memref<2048x256xbf16, #tpu.memory_space<vmem>>, %arg4: memref<256x1xi32, #tpu.memory_space<vmem>>, %arg5: memref<4096x1xi32, #tpu.memory_space<vmem>>, %arg6: memref<64x64xf32, #tpu.memory_space<vmem>>, %arg7: memref<12288x128xf32, #tpu.memory_space<vmem>>, %arg8: memref<12288x128xf32, #tpu.memory_space<vmem>>, %arg9: memref<1x1xf32, #tpu.memory_space<smem>>, %arg10: memref<12288x64xf32, #tpu.memory_space<vmem>>) attributes {dimension_semantics = [#tpu.dimension_semantics<arbitrary>], iteration_bounds = array<i64: 16>, scalar_prefetch = 0 : i64, scratch_operands = 1 : i64, tpu.core_type = #tpu.core_type<tc>, window_params = [{transform_indices = @transform_0, window_bounds = array<i64: 2, 16>}, {transform_indices = @transform_1, window_bounds = array<i64: 3, 256, 128>}, {pipeline_mode = #tpu.pipeline_mode<synchronous>, transform_indices = @transform_2, window_bounds = array<i64: 2048, 256>}, {transform_indices = @transform_3, window_bounds = array<i64: 256, 1>}, {pipeline_mode = #tpu.pipeline_mode<synchronous>, transform_indices = @transform_4, window_bounds = array<i64: 4096, 1>}, {pipeline_mode = #tpu.pipeline_mode<synchronous>, transform_indices = @transform_5, window_bounds = array<i64: 64, 64>}, {pipeline_mode = #tpu.pipeline_mode<synchronous>, transform_indices = @transform_6, window_bounds = array<i64: 12288, 128>}, {pipeline_mode = #tpu.pipeline_mode<synchronous>, transform_indices = @transform_7, window_bounds = array<i64: 12288, 128>}, {transform_indices = @transform_8, window_bounds = array<i64: 1, 1>}]} {
    %get3A = arith.constant 0 : index
    %get3A_0 = arith.constant 0 : index
    %get3A_1 = arith.constant 0 : index
    %get3A_2 = vector.load %arg2[%get3A, %get3A_0, %get3A_1] : memref<3x256x128xf32, #tpu.memory_space<vmem>>, vector<3x256x128xf32>
    %reshape3A = vector.shape_cast %get3A_2 : vector<3x256x128xf32> to vector<768x128xf32>
    %convert_element_type3A = arith.truncf %reshape3A : vector<768x128xf32> to vector<768x128xbf16>
    %get3A_3 = arith.constant 0 : index
    %get3A_4 = arith.constant 0 : index
    %get3A_5 = vector.load %arg4[%get3A_3, %get3A_4] : memref<256x1xi32, #tpu.memory_space<vmem>>, vector<256x1xi32>
    %get3A_6 = arith.constant 0 : index
    %get3A_7 = arith.index_cast %arg0 : i32 to index
    %get3A_8 = memref.load %arg1[%get3A_6, %get3A_7] : memref<2x16xi32, #tpu.memory_space<smem>>
    %get3A_9 = arith.constant 1 : index
    %get3A_10 = arith.index_cast %arg0 : i32 to index
    %get3A_11 = memref.load %arg1[%get3A_9, %get3A_10] : memref<2x16xi32, #tpu.memory_space<smem>>
    %mul3A = arith.constant 3 : i32
    %mul3A_12 = arith.muli %arg0, %mul3A : i32
    %mul3A_13 = arith.constant 256 : i32
    %mul3A_14 = arith.muli %mul3A_12, %mul3A_13 : i32
    %broadcast_in_dim3A = arith.constant 0.000000e+00 : f32
    %broadcast_in_dim3A_15 = vector.broadcast %broadcast_in_dim3A : f32 to vector<768x64xf32>
    %swap3A = arith.index_cast %mul3A_14 : i32 to index
    %swap3A_16 = arith.constant 0 : index
    %swap3A_17 = vector.load %arg10[%swap3A, %swap3A_16] : memref<12288x64xf32, #tpu.memory_space<vmem>>, vector<768x64xf32>
    tpu.vector_store %arg10[%swap3A, %swap3A_16], %broadcast_in_dim3A_15 {strides = array<i32>} : memref<12288x64xf32, #tpu.memory_space<vmem>>, vector<768x64xf32>,
    %add3A = arith.constant 1 : i32
    %add3A_18 = arith.addi %get3A_11, %add3A : i32
    %while3A = arith.constant 0 : i32
    %while3A_19 = arith.subi %add3A_18, %get3A_8 : i32
    %while3A_20 = arith.addi %get3A_8, %while3A_19 : i32
    %while3A_21 = arith.constant 1 : i32
    %while3A_22 = arith.divsi %while3A_19, %while3A_21 : i32
    %while3A_23 = arith.muli %while3A_22, %while3A_21 : i32
    %while3A_24 = arith.addi %get3A_8, %while3A_23 : i32
    %while3A_25 = arith.constant 1 : i32
    scf.for %while3A_30 = %get3A_8 to %while3A_24 step %while3A_25  : i32 {
      %mul3A_31 = arith.constant 128 : i32
      %mul3A_32 = arith.muli %while3A_30, %mul3A_31 : i32
      %get3A_33 = arith.index_cast %mul3A_32 : i32 to index
      %get3A_34 = arith.constant 0 : index
      %get3A_35 = vector.load %arg3[%get3A_33, %get3A_34] : memref<2048x256xbf16, #tpu.memory_space<vmem>>, vector<128x256xbf16>
      %dot_general3A = arith.constant dense<0.000000e+00> : vector<768x256xf32>
      %dot_general3A_36 = tpu.matmul %convert_element_type3A, %get3A_35, %dot_general3A {dimension_numbers = #tpu.dot_dimension_numbers<[1], [0], [0], [1], [0, 0, 1, 1], [], []>, transpose_lhs_hint = false} : vector<768x128xbf16>, vector<128x256xbf16>, vector<768x256xf32> -> vector<768x256xf32>
      %broadcast_in_dim3A_37 = arith.constant 0.000000e+00 : f32
      %broadcast_in_dim3A_38 = vector.broadcast %broadcast_in_dim3A_37 : f32 to vector<768x64xf32>
      %mul3A_39 = arith.constant 4 : i32
      %mul3A_40 = arith.muli %while3A_30, %mul3A_39 : i32
      %add3A_41 = arith.constant 0 : i32
      %add3A_42 = arith.addi %mul3A_40, %add3A_41 : i32
      %eq3A_43 = vector.broadcast %add3A_42 : i32 to vector<256x1xi32>
      %eq3A_44 = arith.cmpi eq, %get3A_5, %eq3A_43 : vector<256x1xi32>
      %convert_element_type3A_45 = arith.extui %eq3A_44 : vector<256x1xi1> to vector<256x1xi32>
      %convert_element_type3A_46 = arith.sitofp %convert_element_type3A_45 : vector<256x1xi32> to vector<256x1xf32>
      %concatenate3A = tpu.concatenate %convert_element_type3A_46, %convert_element_type3A_46, %convert_element_type3A_46 in 0 : vector<256x1xf32>, vector<256x1xf32>, vector<256x1xf32> -> vector<768x1xf32>
      %slice3A = vector.extract_strided_slice %dot_general3A_36 {offsets = [0, 0], sizes = [768, 64], strides = [1, 1]} : vector<768x256xf32> to vector<768x64xf32>
      %mul3A_47 = vector.broadcast %concatenate3A : vector<768x1xf32> to vector<768x64xf32>
      %mul3A_48 = arith.mulf %slice3A, %mul3A_47 : vector<768x64xf32>
      %add3A_49 = arith.addf %broadcast_in_dim3A_38, %mul3A_48 : vector<768x64xf32>
      %mul3A_50 = arith.constant 4 : i32
      %mul3A_51 = arith.muli %while3A_30, %mul3A_50 : i32
      %add3A_52 = arith.constant 1 : i32
      %add3A_53 = arith.addi %mul3A_51, %add3A_52 : i32
      %eq3A_54 = vector.broadcast %add3A_53 : i32 to vector<256x1xi32>
      %eq3A_55 = arith.cmpi eq, %get3A_5, %eq3A_54 : vector<256x1xi32>
      %convert_element_type3A_56 = arith.extui %eq3A_55 : vector<256x1xi1> to vector<256x1xi32>
      %convert_element_type3A_57 = arith.sitofp %convert_element_type3A_56 : vector<256x1xi32> to vector<256x1xf32>
      %concatenate3A_58 = tpu.concatenate %convert_element_type3A_57, %convert_element_type3A_57, %convert_element_type3A_57 in 0 : vector<256x1xf32>, vector<256x1xf32>, vector<256x1xf32> -> vector<768x1xf32>
      %slice3A_59 = vector.extract_strided_slice %dot_general3A_36 {offsets = [0, 64], sizes = [768, 64], strides = [1, 1]} : vector<768x256xf32> to vector<768x64xf32>
      %mul3A_60 = vector.broadcast %concatenate3A_58 : vector<768x1xf32> to vector<768x64xf32>
      %mul3A_61 = arith.mulf %slice3A_59, %mul3A_60 : vector<768x64xf32>
      %add3A_62 = arith.addf %add3A_49, %mul3A_61 : vector<768x64xf32>
      %mul3A_63 = arith.constant 4 : i32
      %mul3A_64 = arith.muli %while3A_30, %mul3A_63 : i32
      %add3A_65 = arith.constant 2 : i32
      %add3A_66 = arith.addi %mul3A_64, %add3A_65 : i32
      %eq3A_67 = vector.broadcast %add3A_66 : i32 to vector<256x1xi32>
      %eq3A_68 = arith.cmpi eq, %get3A_5, %eq3A_67 : vector<256x1xi32>
      %convert_element_type3A_69 = arith.extui %eq3A_68 : vector<256x1xi1> to vector<256x1xi32>
      %convert_element_type3A_70 = arith.sitofp %convert_element_type3A_69 : vector<256x1xi32> to vector<256x1xf32>
      %concatenate3A_71 = tpu.concatenate %convert_element_type3A_70, %convert_element_type3A_70, %convert_element_type3A_70 in 0 : vector<256x1xf32>, vector<256x1xf32>, vector<256x1xf32> -> vector<768x1xf32>
      %slice3A_72 = vector.extract_strided_slice %dot_general3A_36 {offsets = [0, 128], sizes = [768, 64], strides = [1, 1]} : vector<768x256xf32> to vector<768x64xf32>
      %mul3A_73 = vector.broadcast %concatenate3A_71 : vector<768x1xf32> to vector<768x64xf32>
      %mul3A_74 = arith.mulf %slice3A_72, %mul3A_73 : vector<768x64xf32>
      %add3A_75 = arith.addf %add3A_62, %mul3A_74 : vector<768x64xf32>
      %mul3A_76 = arith.constant 4 : i32
      %mul3A_77 = arith.muli %while3A_30, %mul3A_76 : i32
      %add3A_78 = arith.constant 3 : i32
      %add3A_79 = arith.addi %mul3A_77, %add3A_78 : i32
      %eq3A_80 = vector.broadcast %add3A_79 : i32 to vector<256x1xi32>
      %eq3A_81 = arith.cmpi eq, %get3A_5, %eq3A_80 : vector<256x1xi32>
      %convert_element_type3A_82 = arith.extui %eq3A_81 : vector<256x1xi1> to vector<256x1xi32>
      %convert_element_type3A_83 = arith.sitofp %convert_element_type3A_82 : vector<256x1xi32> to vector<256x1xf32>
      %concatenate3A_84 = tpu.concatenate %convert_element_type3A_83, %convert_element_type3A_83, %convert_element_type3A_83 in 0 : vector<256x1xf32>, vector<256x1xf32>, vector<256x1xf32> -> vector<768x1xf32>
      %slice3A_85 = vector.extract_strided_slice %dot_general3A_36 {offsets = [0, 192], sizes = [768, 64], strides = [1, 1]} : vector<768x256xf32> to vector<768x64xf32>
      %mul3A_86 = vector.broadcast %concatenate3A_84 : vector<768x1xf32> to vector<768x64xf32>
      %mul3A_87 = arith.mulf %slice3A_85, %mul3A_86 : vector<768x64xf32>
      %add3A_88 = arith.addf %add3A_75, %mul3A_87 : vector<768x64xf32>
      %get3A_89 = arith.index_cast %mul3A_14 : i32 to index
      %get3A_90 = arith.constant 0 : index
      %get3A_91 = vector.load %arg10[%get3A_89, %get3A_90] : memref<12288x64xf32, #tpu.memory_space<vmem>>, vector<768x64xf32>
      %add3A_92 = arith.addf %get3A_91, %add3A_88 : vector<768x64xf32>
      %swap3A_93 = arith.index_cast %mul3A_14 : i32 to index
      %swap3A_94 = arith.constant 0 : index
      %swap3A_95 = vector.load %arg10[%swap3A_93, %swap3A_94] : memref<12288x64xf32, #tpu.memory_space<vmem>>, vector<768x64xf32>
      tpu.vector_store %arg10[%swap3A_93, %swap3A_94], %add3A_92 {strides = array<i32>} : memref<12288x64xf32, #tpu.memory_space<vmem>>, vector<768x64xf32>,
    }
    %while3A_26 = arith.constant 1 : i32
    scf.for %while3A_30 = %while3A_24 to %while3A_20 step %while3A_26  : i32 {
      %mul3A_31 = arith.constant 128 : i32
      %mul3A_32 = arith.muli %while3A_30, %mul3A_31 : i32
      %get3A_33 = arith.index_cast %mul3A_32 : i32 to index
      %get3A_34 = arith.constant 0 : index
      %get3A_35 = vector.load %arg3[%get3A_33, %get3A_34] : memref<2048x256xbf16, #tpu.memory_space<vmem>>, vector<128x256xbf16>
      %dot_general3A = arith.constant dense<0.000000e+00> : vector<768x256xf32>
      %dot_general3A_36 = tpu.matmul %convert_element_type3A, %get3A_35, %dot_general3A {dimension_numbers = #tpu.dot_dimension_numbers<[1], [0], [0], [1], [0, 0, 1, 1], [], []>, transpose_lhs_hint = false} : vector<768x128xbf16>, vector<128x256xbf16>, vector<768x256xf32> -> vector<768x256xf32>
      %broadcast_in_dim3A_37 = arith.constant 0.000000e+00 : f32
      %broadcast_in_dim3A_38 = vector.broadcast %broadcast_in_dim3A_37 : f32 to vector<768x64xf32>
      %mul3A_39 = arith.constant 4 : i32
      %mul3A_40 = arith.muli %while3A_30, %mul3A_39 : i32
      %add3A_41 = arith.constant 0 : i32
      %add3A_42 = arith.addi %mul3A_40, %add3A_41 : i32
      %eq3A_43 = vector.broadcast %add3A_42 : i32 to vector<256x1xi32>
      %eq3A_44 = arith.cmpi eq, %get3A_5, %eq3A_43 : vector<256x1xi32>
      %convert_element_type3A_45 = arith.extui %eq3A_44 : vector<256x1xi1> to vector<256x1xi32>
      %convert_element_type3A_46 = arith.sitofp %convert_element_type3A_45 : vector<256x1xi32> to vector<256x1xf32>
      %concatenate3A = tpu.concatenate %convert_element_type3A_46, %convert_element_type3A_46, %convert_element_type3A_46 in 0 : vector<256x1xf32>, vector<256x1xf32>, vector<256x1xf32> -> vector<768x1xf32>
      %slice3A = vector.extract_strided_slice %dot_general3A_36 {offsets = [0, 0], sizes = [768, 64], strides = [1, 1]} : vector<768x256xf32> to vector<768x64xf32>
      %mul3A_47 = vector.broadcast %concatenate3A : vector<768x1xf32> to vector<768x64xf32>
      %mul3A_48 = arith.mulf %slice3A, %mul3A_47 : vector<768x64xf32>
      %add3A_49 = arith.addf %broadcast_in_dim3A_38, %mul3A_48 : vector<768x64xf32>
      %mul3A_50 = arith.constant 4 : i32
      %mul3A_51 = arith.muli %while3A_30, %mul3A_50 : i32
      %add3A_52 = arith.constant 1 : i32
      %add3A_53 = arith.addi %mul3A_51, %add3A_52 : i32
      %eq3A_54 = vector.broadcast %add3A_53 : i32 to vector<256x1xi32>
      %eq3A_55 = arith.cmpi eq, %get3A_5, %eq3A_54 : vector<256x1xi32>
      %convert_element_type3A_56 = arith.extui %eq3A_55 : vector<256x1xi1> to vector<256x1xi32>
      %convert_element_type3A_57 = arith.sitofp %convert_element_type3A_56 : vector<256x1xi32> to vector<256x1xf32>
      %concatenate3A_58 = tpu.concatenate %convert_element_type3A_57, %convert_element_type3A_57, %convert_element_type3A_57 in 0 : vector<256x1xf32>, vector<256x1xf32>, vector<256x1xf32> -> vector<768x1xf32>
      %slice3A_59 = vector.extract_strided_slice %dot_general3A_36 {offsets = [0, 64], sizes = [768, 64], strides = [1, 1]} : vector<768x256xf32> to vector<768x64xf32>
      %mul3A_60 = vector.broadcast %concatenate3A_58 : vector<768x1xf32> to vector<768x64xf32>
      %mul3A_61 = arith.mulf %slice3A_59, %mul3A_60 : vector<768x64xf32>
      %add3A_62 = arith.addf %add3A_49, %mul3A_61 : vector<768x64xf32>
      %mul3A_63 = arith.constant 4 : i32
      %mul3A_64 = arith.muli %while3A_30, %mul3A_63 : i32
      %add3A_65 = arith.constant 2 : i32
      %add3A_66 = arith.addi %mul3A_64, %add3A_65 : i32
      %eq3A_67 = vector.broadcast %add3A_66 : i32 to vector<256x1xi32>
      %eq3A_68 = arith.cmpi eq, %get3A_5, %eq3A_67 : vector<256x1xi32>
      %convert_element_type3A_69 = arith.extui %eq3A_68 : vector<256x1xi1> to vector<256x1xi32>
      %convert_element_type3A_70 = arith.sitofp %convert_element_type3A_69 : vector<256x1xi32> to vector<256x1xf32>
      %concatenate3A_71 = tpu.concatenate %convert_element_type3A_70, %convert_element_type3A_70, %convert_element_type3A_70 in 0 : vector<256x1xf32>, vector<256x1xf32>, vector<256x1xf32> -> vector<768x1xf32>
      %slice3A_72 = vector.extract_strided_slice %dot_general3A_36 {offsets = [0, 128], sizes = [768, 64], strides = [1, 1]} : vector<768x256xf32> to vector<768x64xf32>
      %mul3A_73 = vector.broadcast %concatenate3A_71 : vector<768x1xf32> to vector<768x64xf32>
      %mul3A_74 = arith.mulf %slice3A_72, %mul3A_73 : vector<768x64xf32>
      %add3A_75 = arith.addf %add3A_62, %mul3A_74 : vector<768x64xf32>
      %mul3A_76 = arith.constant 4 : i32
      %mul3A_77 = arith.muli %while3A_30, %mul3A_76 : i32
      %add3A_78 = arith.constant 3 : i32
      %add3A_79 = arith.addi %mul3A_77, %add3A_78 : i32
      %eq3A_80 = vector.broadcast %add3A_79 : i32 to vector<256x1xi32>
      %eq3A_81 = arith.cmpi eq, %get3A_5, %eq3A_80 : vector<256x1xi32>
      %convert_element_type3A_82 = arith.extui %eq3A_81 : vector<256x1xi1> to vector<256x1xi32>
      %convert_element_type3A_83 = arith.sitofp %convert_element_type3A_82 : vector<256x1xi32> to vector<256x1xf32>
      %concatenate3A_84 = tpu.concatenate %convert_element_type3A_83, %convert_element_type3A_83, %convert_element_type3A_83 in 0 : vector<256x1xf32>, vector<256x1xf32>, vector<256x1xf32> -> vector<768x1xf32>
      %slice3A_85 = vector.extract_strided_slice %dot_general3A_36 {offsets = [0, 192], sizes = [768, 64], strides = [1, 1]} : vector<768x256xf32> to vector<768x64xf32>
      %mul3A_86 = vector.broadcast %concatenate3A_84 : vector<768x1xf32> to vector<768x64xf32>
      %mul3A_87 = arith.mulf %slice3A_85, %mul3A_86 : vector<768x64xf32>
      %add3A_88 = arith.addf %add3A_75, %mul3A_87 : vector<768x64xf32>
      %get3A_89 = arith.index_cast %mul3A_14 : i32 to index
      %get3A_90 = arith.constant 0 : index
      %get3A_91 = vector.load %arg10[%get3A_89, %get3A_90] : memref<12288x64xf32, #tpu.memory_space<vmem>>, vector<768x64xf32>
      %add3A_92 = arith.addf %get3A_91, %add3A_88 : vector<768x64xf32>
      %swap3A_93 = arith.index_cast %mul3A_14 : i32 to index
      %swap3A_94 = arith.constant 0 : index
      %swap3A_95 = vector.load %arg10[%swap3A_93, %swap3A_94] : memref<12288x64xf32, #tpu.memory_space<vmem>>, vector<768x64xf32>
      tpu.vector_store %arg10[%swap3A_93, %swap3A_94], %add3A_92 {strides = array<i32>} : memref<12288x64xf32, #tpu.memory_space<vmem>>, vector<768x64xf32>,
    }
    %eq3A = arith.constant 15 : i32
    %eq3A_27 = arith.cmpi eq, %arg0, %eq3A : i32
    %convert_element_type3A_28 = arith.extui %eq3A_27 : i1 to i32
    %cond3A = arith.constant 0 : i32
    %cond3A_29 = arith.cmpi ne, %convert_element_type3A_28, %cond3A : i32
    scf.if %cond3A_29 {
      %get3A_30 = arith.constant 0 : index
      %get3A_31 = arith.constant 0 : index
      %get3A_32 = vector.load %arg5[%get3A_30, %get3A_31] : memref<4096x1xi32, #tpu.memory_space<vmem>>, vector<4096x1xi32>
      %iota3A = tpu.iota {dimensions = array<i32: 1>} : vector<4096x64xi32>
      %eq3A_33 = vector.broadcast %get3A_32 : vector<4096x1xi32> to vector<4096x64xi32>
      %eq3A_34 = arith.cmpi eq, %eq3A_33, %iota3A : vector<4096x64xi32>
      %convert_element_type3A_35 = arith.extui %eq3A_34 : vector<4096x64xi1> to vector<4096x64xi32>
      %convert_element_type3A_36 = arith.sitofp %convert_element_type3A_35 : vector<4096x64xi32> to vector<4096x64xf32>
      %get3A_37 = arith.constant 0 : index
      %get3A_38 = arith.constant 0 : index
      %get3A_39 = vector.load %arg6[%get3A_37, %get3A_38] : memref<64x64xf32, #tpu.memory_space<vmem>>, vector<64x64xf32>
      %dot_general3A = arith.constant dense<0.000000e+00> : vector<4096x64xf32>
      %dot_general3A_40 = tpu.matmul %convert_element_type3A_36, %get3A_39, %dot_general3A {dimension_numbers = #tpu.dot_dimension_numbers<[1], [0], [0], [1], [0, 0, 1, 1], [], []>, transpose_lhs_hint = false} : vector<4096x64xf32>, vector<64x64xf32>, vector<4096x64xf32> -> vector<4096x64xf32>
      %get3A_41 = arith.constant 0 : index
      %get3A_42 = arith.constant 0 : index
      %get3A_43 = vector.load %arg10[%get3A_41, %get3A_42] : memref<12288x64xf32, #tpu.memory_space<vmem>>, vector<256x64xf32>
      %get3A_44 = arith.constant 768 : index
      %get3A_45 = arith.constant 0 : index
      %get3A_46 = vector.load %arg10[%get3A_44, %get3A_45] : memref<12288x64xf32, #tpu.memory_space<vmem>>, vector<256x64xf32>
      %get3A_47 = arith.constant 1536 : index
      %get3A_48 = arith.constant 0 : index
      %get3A_49 = vector.load %arg10[%get3A_47, %get3A_48] : memref<12288x64xf32, #tpu.memory_space<vmem>>, vector<256x64xf32>
      %get3A_50 = arith.constant 2304 : index
      %get3A_51 = arith.constant 0 : index
      %get3A_52 = vector.load %arg10[%get3A_50, %get3A_51] : memref<12288x64xf32, #tpu.memory_space<vmem>>, vector<256x64xf32>
      %get3A_53 = arith.constant 3072 : index
      %get3A_54 = arith.constant 0 : index
      %get3A_55 = vector.load %arg10[%get3A_53, %get3A_54] : memref<12288x64xf32, #tpu.memory_space<vmem>>, vector<256x64xf32>
      %get3A_56 = arith.constant 3840 : index
      %get3A_57 = arith.constant 0 : index
      %get3A_58 = vector.load %arg10[%get3A_56, %get3A_57] : memref<12288x64xf32, #tpu.memory_space<vmem>>, vector<256x64xf32>
      %get3A_59 = arith.constant 4608 : index
      %get3A_60 = arith.constant 0 : index
      %get3A_61 = vector.load %arg10[%get3A_59, %get3A_60] : memref<12288x64xf32, #tpu.memory_space<vmem>>, vector<256x64xf32>
      %get3A_62 = arith.constant 5376 : index
      %get3A_63 = arith.constant 0 : index
      %get3A_64 = vector.load %arg10[%get3A_62, %get3A_63] : memref<12288x64xf32, #tpu.memory_space<vmem>>, vector<256x64xf32>
      %get3A_65 = arith.constant 6144 : index
      %get3A_66 = arith.constant 0 : index
      %get3A_67 = vector.load %arg10[%get3A_65, %get3A_66] : memref<12288x64xf32, #tpu.memory_space<vmem>>, vector<256x64xf32>
      %get3A_68 = arith.constant 6912 : index
      %get3A_69 = arith.constant 0 : index
      %get3A_70 = vector.load %arg10[%get3A_68, %get3A_69] : memref<12288x64xf32, #tpu.memory_space<vmem>>, vector<256x64xf32>
      %get3A_71 = arith.constant 7680 : index
      %get3A_72 = arith.constant 0 : index
      %get3A_73 = vector.load %arg10[%get3A_71, %get3A_72] : memref<12288x64xf32, #tpu.memory_space<vmem>>, vector<256x64xf32>
      %get3A_74 = arith.constant 8448 : index
      %get3A_75 = arith.constant 0 : index
      %get3A_76 = vector.load %arg10[%get3A_74, %get3A_75] : memref<12288x64xf32, #tpu.memory_space<vmem>>, vector<256x64xf32>
      %get3A_77 = arith.constant 9216 : index
      %get3A_78 = arith.constant 0 : index
      %get3A_79 = vector.load %arg10[%get3A_77, %get3A_78] : memref<12288x64xf32, #tpu.memory_space<vmem>>, vector<256x64xf32>
      %get3A_80 = arith.constant 9984 : index
      %get3A_81 = arith.constant 0 : index
      %get3A_82 = vector.load %arg10[%get3A_80, %get3A_81] : memref<12288x64xf32, #tpu.memory_space<vmem>>, vector<256x64xf32>
      %get3A_83 = arith.constant 10752 : index
      %get3A_84 = arith.constant 0 : index
      %get3A_85 = vector.load %arg10[%get3A_83, %get3A_84] : memref<12288x64xf32, #tpu.memory_space<vmem>>, vector<256x64xf32>
      %get3A_86 = arith.constant 11520 : index
      %get3A_87 = arith.constant 0 : index
      %get3A_88 = vector.load %arg10[%get3A_86, %get3A_87] : memref<12288x64xf32, #tpu.memory_space<vmem>>, vector<256x64xf32>
      %concatenate3A = tpu.concatenate %get3A_43, %get3A_46, %get3A_49, %get3A_52, %get3A_55, %get3A_58, %get3A_61, %get3A_64, %get3A_67, %get3A_70, %get3A_73, %get3A_76, %get3A_79, %get3A_82, %get3A_85, %get3A_88 in 0 : vector<256x64xf32>, vector<256x64xf32>, vector<256x64xf32>, vector<256x64xf32>, vector<256x64xf32>, vector<256x64xf32>, vector<256x64xf32>, vector<256x64xf32>, vector<256x64xf32>, vector<256x64xf32>, vector<256x64xf32>, vector<256x64xf32>, vector<256x64xf32>, vector<256x64xf32>, vector<256x64xf32>, vector<256x64xf32> -> vector<4096x64xf32>
      %mul3A_89 = arith.mulf %concatenate3A, %concatenate3A : vector<4096x64xf32>
      %broadcast_in_dim3A_90 = arith.constant 1.000000e+00 : f32
      %broadcast_in_dim3A_91 = vector.broadcast %broadcast_in_dim3A_90 : f32 to vector<64x1xf32>
      %dot_general3A_92 = arith.constant dense<0.000000e+00> : vector<4096x1xf32>
      %dot_general3A_93 = tpu.matmul %mul3A_89, %broadcast_in_dim3A_91, %dot_general3A_92 {dimension_numbers = #tpu.dot_dimension_numbers<[1], [0], [0], [1], [0, 0, 1, 1], [], []>, transpose_lhs_hint = false} : vector<4096x64xf32>, vector<64x1xf32>, vector<4096x1xf32> -> vector<4096x1xf32>
      %sqrt3A = math.sqrt %dot_general3A_93 : vector<4096x1xf32>
      %max3A = arith.constant 9.99999996E-13 : f32
      %max3A_94 = vector.broadcast %max3A : f32 to vector<4096x1xf32>
      %max3A_95 = arith.maximumf %sqrt3A, %max3A_94 : vector<4096x1xf32>
      %div3A = arith.constant 1.000000e+00 : f32
      %div3A_96 = vector.broadcast %div3A : f32 to vector<4096x1xf32>
      %div3A_97 = arith.divf %div3A_96, %max3A_95 : vector<4096x1xf32>
      %mul3A_98 = vector.broadcast %div3A_97 : vector<4096x1xf32> to vector<4096x64xf32>
      %mul3A_99 = arith.mulf %concatenate3A, %mul3A_98 : vector<4096x64xf32>
      %mul3A_100 = arith.mulf %sqrt3A, %div3A_97 : vector<4096x1xf32>
      %get3A_101 = arith.constant 256 : index
      %get3A_102 = arith.constant 0 : index
      %get3A_103 = vector.load %arg10[%get3A_101, %get3A_102] : memref<12288x64xf32, #tpu.memory_space<vmem>>, vector<256x64xf32>
      %get3A_104 = arith.constant 1024 : index
      %get3A_105 = arith.constant 0 : index
      %get3A_106 = vector.load %arg10[%get3A_104, %get3A_105] : memref<12288x64xf32, #tpu.memory_space<vmem>>, vector<256x64xf32>
      %get3A_107 = arith.constant 1792 : index
      %get3A_108 = arith.constant 0 : index
      %get3A_109 = vector.load %arg10[%get3A_107, %get3A_108] : memref<12288x64xf32, #tpu.memory_space<vmem>>, vector<256x64xf32>
      %get3A_110 = arith.constant 2560 : index
      %get3A_111 = arith.constant 0 : index
      %get3A_112 = vector.load %arg10[%get3A_110, %get3A_111] : memref<12288x64xf32, #tpu.memory_space<vmem>>, vector<256x64xf32>
      %get3A_113 = arith.constant 3328 : index
      %get3A_114 = arith.constant 0 : index
      %get3A_115 = vector.load %arg10[%get3A_113, %get3A_114] : memref<12288x64xf32, #tpu.memory_space<vmem>>, vector<256x64xf32>
      %get3A_116 = arith.constant 4096 : index
      %get3A_117 = arith.constant 0 : index
      %get3A_118 = vector.load %arg10[%get3A_116, %get3A_117] : memref<12288x64xf32, #tpu.memory_space<vmem>>, vector<256x64xf32>
      %get3A_119 = arith.constant 4864 : index
      %get3A_120 = arith.constant 0 : index
      %get3A_121 = vector.load %arg10[%get3A_119, %get3A_120] : memref<12288x64xf32, #tpu.memory_space<vmem>>, vector<256x64xf32>
      %get3A_122 = arith.constant 5632 : index
      %get3A_123 = arith.constant 0 : index
      %get3A_124 = vector.load %arg10[%get3A_122, %get3A_123] : memref<12288x64xf32, #tpu.memory_space<vmem>>, vector<256x64xf32>
      %get3A_125 = arith.constant 6400 : index
      %get3A_126 = arith.constant 0 : index
      %get3A_127 = vector.load %arg10[%get3A_125, %get3A_126] : memref<12288x64xf32, #tpu.memory_space<vmem>>, vector<256x64xf32>
      %get3A_128 = arith.constant 7168 : index
      %get3A_129 = arith.constant 0 : index
      %get3A_130 = vector.load %arg10[%get3A_128, %get3A_129] : memref<12288x64xf32, #tpu.memory_space<vmem>>, vector<256x64xf32>
      %get3A_131 = arith.constant 7936 : index
      %get3A_132 = arith.constant 0 : index
      %get3A_133 = vector.load %arg10[%get3A_131, %get3A_132] : memref<12288x64xf32, #tpu.memory_space<vmem>>, vector<256x64xf32>
      %get3A_134 = arith.constant 8704 : index
      %get3A_135 = arith.constant 0 : index
      %get3A_136 = vector.load %arg10[%get3A_134, %get3A_135] : memref<12288x64xf32, #tpu.memory_space<vmem>>, vector<256x64xf32>
      %get3A_137 = arith.constant 9472 : index
      %get3A_138 = arith.constant 0 : index
      %get3A_139 = vector.load %arg10[%get3A_137, %get3A_138] : memref<12288x64xf32, #tpu.memory_space<vmem>>, vector<256x64xf32>
      %get3A_140 = arith.constant 10240 : index
      %get3A_141 = arith.constant 0 : index
      %get3A_142 = vector.load %arg10[%get3A_140, %get3A_141] : memref<12288x64xf32, #tpu.memory_space<vmem>>, vector<256x64xf32>
      %get3A_143 = arith.constant 11008 : index
      %get3A_144 = arith.constant 0 : index
      %get3A_145 = vector.load %arg10[%get3A_143, %get3A_144] : memref<12288x64xf32, #tpu.memory_space<vmem>>, vector<256x64xf32>
      %get3A_146 = arith.constant 11776 : index
      %get3A_147 = arith.constant 0 : index
      %get3A_148 = vector.load %arg10[%get3A_146, %get3A_147] : memref<12288x64xf32, #tpu.memory_space<vmem>>, vector<256x64xf32>
      %concatenate3A_149 = tpu.concatenate %get3A_103, %get3A_106, %get3A_109, %get3A_112, %get3A_115, %get3A_118, %get3A_121, %get3A_124, %get3A_127, %get3A_130, %get3A_133, %get3A_136, %get3A_139, %get3A_142, %get3A_145, %get3A_148 in 0 : vector<256x64xf32>, vector<256x64xf32>, vector<256x64xf32>, vector<256x64xf32>, vector<256x64xf32>, vector<256x64xf32>, vector<256x64xf32>, vector<256x64xf32>, vector<256x64xf32>, vector<256x64xf32>, vector<256x64xf32>, vector<256x64xf32>, vector<256x64xf32>, vector<256x64xf32>, vector<256x64xf32>, vector<256x64xf32> -> vector<4096x64xf32>
      %mul3A_150 = arith.mulf %concatenate3A_149, %concatenate3A_149 : vector<4096x64xf32>
      %broadcast_in_dim3A_151 = arith.constant 1.000000e+00 : f32
      %broadcast_in_dim3A_152 = vector.broadcast %broadcast_in_dim3A_151 : f32 to vector<64x1xf32>
      %dot_general3A_153 = arith.constant dense<0.000000e+00> : vector<4096x1xf32>
      %dot_general3A_154 = tpu.matmul %mul3A_150, %broadcast_in_dim3A_152, %dot_general3A_153 {dimension_numbers = #tpu.dot_dimension_numbers<[1], [0], [0], [1], [0, 0, 1, 1], [], []>, transpose_lhs_hint = false} : vector<4096x64xf32>, vector<64x1xf32>, vector<4096x1xf32> -> vector<4096x1xf32>
      %sqrt3A_155 = math.sqrt %dot_general3A_154 : vector<4096x1xf32>
      %max3A_156 = arith.constant 9.99999996E-13 : f32
      %max3A_157 = vector.broadcast %max3A_156 : f32 to vector<4096x1xf32>
      %max3A_158 = arith.maximumf %sqrt3A_155, %max3A_157 : vector<4096x1xf32>
      %div3A_159 = arith.constant 1.000000e+00 : f32
      %div3A_160 = vector.broadcast %div3A_159 : f32 to vector<4096x1xf32>
      %div3A_161 = arith.divf %div3A_160, %max3A_158 : vector<4096x1xf32>
      %mul3A_162 = vector.broadcast %div3A_161 : vector<4096x1xf32> to vector<4096x64xf32>
      %mul3A_163 = arith.mulf %concatenate3A_149, %mul3A_162 : vector<4096x64xf32>
      %mul3A_164 = arith.mulf %sqrt3A_155, %div3A_161 : vector<4096x1xf32>
      %get3A_165 = arith.constant 512 : index
      %get3A_166 = arith.constant 0 : index
      %get3A_167 = vector.load %arg10[%get3A_165, %get3A_166] : memref<12288x64xf32, #tpu.memory_space<vmem>>, vector<256x64xf32>
      %get3A_168 = arith.constant 1280 : index
      %get3A_169 = arith.constant 0 : index
      %get3A_170 = vector.load %arg10[%get3A_168, %get3A_169] : memref<12288x64xf32, #tpu.memory_space<vmem>>, vector<256x64xf32>
      %get3A_171 = arith.constant 2048 : index
      %get3A_172 = arith.constant 0 : index
      %get3A_173 = vector.load %arg10[%get3A_171, %get3A_172] : memref<12288x64xf32, #tpu.memory_space<vmem>>, vector<256x64xf32>
      %get3A_174 = arith.constant 2816 : index
      %get3A_175 = arith.constant 0 : index
      %get3A_176 = vector.load %arg10[%get3A_174, %get3A_175] : memref<12288x64xf32, #tpu.memory_space<vmem>>, vector<256x64xf32>
      %get3A_177 = arith.constant 3584 : index
      %get3A_178 = arith.constant 0 : index
      %get3A_179 = vector.load %arg10[%get3A_177, %get3A_178] : memref<12288x64xf32, #tpu.memory_space<vmem>>, vector<256x64xf32>
      %get3A_180 = arith.constant 4352 : index
      %get3A_181 = arith.constant 0 : index
      %get3A_182 = vector.load %arg10[%get3A_180, %get3A_181] : memref<12288x64xf32, #tpu.memory_space<vmem>>, vector<256x64xf32>
      %get3A_183 = arith.constant 5120 : index
      %get3A_184 = arith.constant 0 : index
      %get3A_185 = vector.load %arg10[%get3A_183, %get3A_184] : memref<12288x64xf32, #tpu.memory_space<vmem>>, vector<256x64xf32>
      %get3A_186 = arith.constant 5888 : index
      %get3A_187 = arith.constant 0 : index
      %get3A_188 = vector.load %arg10[%get3A_186, %get3A_187] : memref<12288x64xf32, #tpu.memory_space<vmem>>, vector<256x64xf32>
      %get3A_189 = arith.constant 6656 : index
      %get3A_190 = arith.constant 0 : index
      %get3A_191 = vector.load %arg10[%get3A_189, %get3A_190] : memref<12288x64xf32, #tpu.memory_space<vmem>>, vector<256x64xf32>
      %get3A_192 = arith.constant 7424 : index
      %get3A_193 = arith.constant 0 : index
      %get3A_194 = vector.load %arg10[%get3A_192, %get3A_193] : memref<12288x64xf32, #tpu.memory_space<vmem>>, vector<256x64xf32>
      %get3A_195 = arith.constant 8192 : index
      %get3A_196 = arith.constant 0 : index
      %get3A_197 = vector.load %arg10[%get3A_195, %get3A_196] : memref<12288x64xf32, #tpu.memory_space<vmem>>, vector<256x64xf32>
      %get3A_198 = arith.constant 8960 : index
      %get3A_199 = arith.constant 0 : index
      %get3A_200 = vector.load %arg10[%get3A_198, %get3A_199] : memref<12288x64xf32, #tpu.memory_space<vmem>>, vector<256x64xf32>
      %get3A_201 = arith.constant 9728 : index
      %get3A_202 = arith.constant 0 : index
      %get3A_203 = vector.load %arg10[%get3A_201, %get3A_202] : memref<12288x64xf32, #tpu.memory_space<vmem>>, vector<256x64xf32>
      %get3A_204 = arith.constant 10496 : index
      %get3A_205 = arith.constant 0 : index
      %get3A_206 = vector.load %arg10[%get3A_204, %get3A_205] : memref<12288x64xf32, #tpu.memory_space<vmem>>, vector<256x64xf32>
      %get3A_207 = arith.constant 11264 : index
      %get3A_208 = arith.constant 0 : index
      %get3A_209 = vector.load %arg10[%get3A_207, %get3A_208] : memref<12288x64xf32, #tpu.memory_space<vmem>>, vector<256x64xf32>
      %get3A_210 = arith.constant 12032 : index
      %get3A_211 = arith.constant 0 : index
      %get3A_212 = vector.load %arg10[%get3A_210, %get3A_211] : memref<12288x64xf32, #tpu.memory_space<vmem>>, vector<256x64xf32>
      %concatenate3A_213 = tpu.concatenate %get3A_167, %get3A_170, %get3A_173, %get3A_176, %get3A_179, %get3A_182, %get3A_185, %get3A_188, %get3A_191, %get3A_194, %get3A_197, %get3A_200, %get3A_203, %get3A_206, %get3A_209, %get3A_212 in 0 : vector<256x64xf32>, vector<256x64xf32>, vector<256x64xf32>, vector<256x64xf32>, vector<256x64xf32>, vector<256x64xf32>, vector<256x64xf32>, vector<256x64xf32>, vector<256x64xf32>, vector<256x64xf32>, vector<256x64xf32>, vector<256x64xf32>, vector<256x64xf32>, vector<256x64xf32>, vector<256x64xf32>, vector<256x64xf32> -> vector<4096x64xf32>
      %mul3A_214 = arith.mulf %concatenate3A_213, %concatenate3A_213 : vector<4096x64xf32>
      %broadcast_in_dim3A_215 = arith.constant 1.000000e+00 : f32
      %broadcast_in_dim3A_216 = vector.broadcast %broadcast_in_dim3A_215 : f32 to vector<64x1xf32>
      %dot_general3A_217 = arith.constant dense<0.000000e+00> : vector<4096x1xf32>
      %dot_general3A_218 = tpu.matmul %mul3A_214, %broadcast_in_dim3A_216, %dot_general3A_217 {dimension_numbers = #tpu.dot_dimension_numbers<[1], [0], [0], [1], [0, 0, 1, 1], [], []>, transpose_lhs_hint = false} : vector<4096x64xf32>, vector<64x1xf32>, vector<4096x1xf32> -> vector<4096x1xf32>
      %sqrt3A_219 = math.sqrt %dot_general3A_218 : vector<4096x1xf32>
      %max3A_220 = arith.constant 9.99999996E-13 : f32
      %max3A_221 = vector.broadcast %max3A_220 : f32 to vector<4096x1xf32>
      %max3A_222 = arith.maximumf %sqrt3A_219, %max3A_221 : vector<4096x1xf32>
      %div3A_223 = arith.constant 1.000000e+00 : f32
      %div3A_224 = vector.broadcast %div3A_223 : f32 to vector<4096x1xf32>
      %div3A_225 = arith.divf %div3A_224, %max3A_222 : vector<4096x1xf32>
      %mul3A_226 = vector.broadcast %div3A_225 : vector<4096x1xf32> to vector<4096x64xf32>
      %mul3A_227 = arith.mulf %concatenate3A_213, %mul3A_226 : vector<4096x64xf32>
      %mul3A_228 = arith.mulf %sqrt3A_219, %div3A_225 : vector<4096x1xf32>
      %mul3A_229 = arith.mulf %dot_general3A_40, %dot_general3A_40 : vector<4096x64xf32>
      %broadcast_in_dim3A_230 = arith.constant 1.000000e+00 : f32
      %broadcast_in_dim3A_231 = vector.broadcast %broadcast_in_dim3A_230 : f32 to vector<64x1xf32>
      %dot_general3A_232 = arith.constant dense<0.000000e+00> : vector<4096x1xf32>
      %dot_general3A_233 = tpu.matmul %mul3A_229, %broadcast_in_dim3A_231, %dot_general3A_232 {dimension_numbers = #tpu.dot_dimension_numbers<[1], [0], [0], [1], [0, 0, 1, 1], [], []>, transpose_lhs_hint = false} : vector<4096x64xf32>, vector<64x1xf32>, vector<4096x1xf32> -> vector<4096x1xf32>
      %sqrt3A_234 = math.sqrt %dot_general3A_233 : vector<4096x1xf32>
      %max3A_235 = arith.constant 9.99999996E-13 : f32
      %max3A_236 = vector.broadcast %max3A_235 : f32 to vector<4096x1xf32>
      %max3A_237 = arith.maximumf %sqrt3A_234, %max3A_236 : vector<4096x1xf32>
      %div3A_238 = arith.constant 1.000000e+00 : f32
      %div3A_239 = vector.broadcast %div3A_238 : f32 to vector<4096x1xf32>
      %div3A_240 = arith.divf %div3A_239, %max3A_237 : vector<4096x1xf32>
      %mul3A_241 = vector.broadcast %div3A_240 : vector<4096x1xf32> to vector<4096x64xf32>
      %mul3A_242 = arith.mulf %dot_general3A_40, %mul3A_241 : vector<4096x64xf32>
      %mul3A_243 = arith.mulf %sqrt3A_234, %div3A_240 : vector<4096x1xf32>
      %add3A_244 = arith.addf %mul3A_99, %mul3A_242 : vector<4096x64xf32>
      %sub3A = arith.subf %add3A_244, %mul3A_163 : vector<4096x64xf32>
      %square3A = arith.mulf %sub3A, %sub3A : vector<4096x64xf32>
      %broadcast_in_dim3A_245 = arith.constant 1.000000e+00 : f32
      %broadcast_in_dim3A_246 = vector.broadcast %broadcast_in_dim3A_245 : f32 to vector<64x1xf32>
      %dot_general3A_247 = arith.constant dense<0.000000e+00> : vector<4096x1xf32>
      %dot_general3A_248 = tpu.matmul %square3A, %broadcast_in_dim3A_246, %dot_general3A_247 {dimension_numbers = #tpu.dot_dimension_numbers<[1], [0], [0], [1], [0, 0, 1, 1], [], []>, transpose_lhs_hint = false} : vector<4096x64xf32>, vector<64x1xf32>, vector<4096x1xf32> -> vector<4096x1xf32>
      %sub3A_249 = arith.subf %add3A_244, %mul3A_227 : vector<4096x64xf32>
      %square3A_250 = arith.mulf %sub3A_249, %sub3A_249 : vector<4096x64xf32>
      %broadcast_in_dim3A_251 = arith.constant 1.000000e+00 : f32
      %broadcast_in_dim3A_252 = vector.broadcast %broadcast_in_dim3A_251 : f32 to vector<64x1xf32>
      %dot_general3A_253 = arith.constant dense<0.000000e+00> : vector<4096x1xf32>
      %dot_general3A_254 = tpu.matmul %square3A_250, %broadcast_in_dim3A_252, %dot_general3A_253 {dimension_numbers = #tpu.dot_dimension_numbers<[1], [0], [0], [1], [0, 0, 1, 1], [], []>, transpose_lhs_hint = false} : vector<4096x64xf32>, vector<64x1xf32>, vector<4096x1xf32> -> vector<4096x1xf32>
      %sub3A_255 = arith.subf %dot_general3A_254, %dot_general3A_248 : vector<4096x1xf32>
      %neg3A = arith.constant 0.000000e+00 : f32
      %neg3A_256 = vector.broadcast %neg3A : f32 to vector<4096x1xf32>
      %neg3A_257 = arith.subf %neg3A_256, %sub3A_255 : vector<4096x1xf32>
      %max3A_258 = arith.constant 0.000000e+00 : f32
      %max3A_259 = vector.broadcast %max3A_258 : f32 to vector<4096x1xf32>
      %max3A_260 = arith.maximumf %neg3A_257, %max3A_259 : vector<4096x1xf32>
      %abs3A = math.absf %sub3A_255 : vector<4096x1xf32>
      %neg3A_261 = arith.constant 0.000000e+00 : f32
      %neg3A_262 = vector.broadcast %neg3A_261 : f32 to vector<4096x1xf32>
      %neg3A_263 = arith.subf %neg3A_262, %abs3A : vector<4096x1xf32>
      %exp3A = math.exp %neg3A_263 : vector<4096x1xf32>
      %add3A_264 = arith.constant 1.000000e+00 : f32
      %add3A_265 = vector.broadcast %add3A_264 : f32 to vector<4096x1xf32>
      %add3A_266 = arith.addf %add3A_265, %exp3A : vector<4096x1xf32>
      %log3A = math.log %add3A_266 : vector<4096x1xf32>
      %add3A_267 = arith.addf %max3A_260, %log3A : vector<4096x1xf32>
      %reduce_sum3A = vector.shape_cast %add3A_267 : vector<4096x1xf32> to vector<1x4096x1xf32>
      %reduce_sum3A_268 = arith.constant dense<0.000000e+00> : vector<1xf32>
      %reduce_sum3A_269 = vector.multi_reduction <add>, %reduce_sum3A, %reduce_sum3A_268 [1, 2] : vector<1x4096x1xf32> to vector<1xf32>
      %reduce_sum3A_270 = vector.shape_cast %reduce_sum3A_269 : vector<1xf32> to vector<1x1x1xf32>
      %reduce_sum3A_271 = vector.extract %reduce_sum3A_270[0, 0, 0] : f32 from vector<1x1x1xf32>
      %div3A_272 = arith.constant 4.096000e+03 : f32
      %div3A_273 = arith.divf %reduce_sum3A_271, %div3A_272 : f32
      %square3A_274 = arith.mulf %mul3A_100, %mul3A_100 : vector<4096x1xf32>
      %reduce_sum3A_275 = vector.shape_cast %square3A_274 : vector<4096x1xf32> to vector<1x4096x1xf32>
      %reduce_sum3A_276 = arith.constant dense<0.000000e+00> : vector<1xf32>
      %reduce_sum3A_277 = vector.multi_reduction <add>, %reduce_sum3A_275, %reduce_sum3A_276 [1, 2] : vector<1x4096x1xf32> to vector<1xf32>
      %reduce_sum3A_278 = vector.shape_cast %reduce_sum3A_277 : vector<1xf32> to vector<1x1x1xf32>
      %reduce_sum3A_279 = vector.extract %reduce_sum3A_278[0, 0, 0] : f32 from vector<1x1x1xf32>
      %div3A_280 = arith.constant 4.096000e+03 : f32
      %div3A_281 = arith.divf %reduce_sum3A_279, %div3A_280 : f32
      %square3A_282 = arith.mulf %mul3A_243, %mul3A_243 : vector<4096x1xf32>
      %reduce_sum3A_283 = vector.shape_cast %square3A_282 : vector<4096x1xf32> to vector<1x4096x1xf32>
      %reduce_sum3A_284 = arith.constant dense<0.000000e+00> : vector<1xf32>
      %reduce_sum3A_285 = vector.multi_reduction <add>, %reduce_sum3A_283, %reduce_sum3A_284 [1, 2] : vector<1x4096x1xf32> to vector<1xf32>
      %reduce_sum3A_286 = vector.shape_cast %reduce_sum3A_285 : vector<1xf32> to vector<1x1x1xf32>
      %reduce_sum3A_287 = vector.extract %reduce_sum3A_286[0, 0, 0] : f32 from vector<1x1x1xf32>
      %div3A_288 = arith.constant 4.096000e+03 : f32
      %div3A_289 = arith.divf %reduce_sum3A_287, %div3A_288 : f32
      %add3A_290 = arith.addf %div3A_281, %div3A_289 : f32
      %square3A_291 = arith.mulf %mul3A_164, %mul3A_164 : vector<4096x1xf32>
      %reduce_sum3A_292 = vector.shape_cast %square3A_291 : vector<4096x1xf32> to vector<1x4096x1xf32>
      %reduce_sum3A_293 = arith.constant dense<0.000000e+00> : vector<1xf32>
      %reduce_sum3A_294 = vector.multi_reduction <add>, %reduce_sum3A_292, %reduce_sum3A_293 [1, 2] : vector<1x4096x1xf32> to vector<1xf32>
      %reduce_sum3A_295 = vector.shape_cast %reduce_sum3A_294 : vector<1xf32> to vector<1x1x1xf32>
      %reduce_sum3A_296 = vector.extract %reduce_sum3A_295[0, 0, 0] : f32 from vector<1x1x1xf32>
      %div3A_297 = arith.constant 4.096000e+03 : f32
      %div3A_298 = arith.divf %reduce_sum3A_296, %div3A_297 : f32
      %add3A_299 = arith.addf %add3A_290, %div3A_298 : f32
      %square3A_300 = arith.mulf %mul3A_228, %mul3A_228 : vector<4096x1xf32>
      %reduce_sum3A_301 = vector.shape_cast %square3A_300 : vector<4096x1xf32> to vector<1x4096x1xf32>
      %reduce_sum3A_302 = arith.constant dense<0.000000e+00> : vector<1xf32>
      %reduce_sum3A_303 = vector.multi_reduction <add>, %reduce_sum3A_301, %reduce_sum3A_302 [1, 2] : vector<1x4096x1xf32> to vector<1xf32>
      %reduce_sum3A_304 = vector.shape_cast %reduce_sum3A_303 : vector<1xf32> to vector<1x1x1xf32>
      %reduce_sum3A_305 = vector.extract %reduce_sum3A_304[0, 0, 0] : f32 from vector<1x1x1xf32>
      %div3A_306 = arith.constant 4.096000e+03 : f32
      %div3A_307 = arith.divf %reduce_sum3A_305, %div3A_306 : f32
      %add3A_308 = arith.addf %add3A_299, %div3A_307 : f32
      %mul3A_309 = arith.constant 5.000000e-01 : f32
      %mul3A_310 = arith.mulf %mul3A_309, %add3A_308 : f32
      %get3A_311 = arith.constant 0 : index
      %get3A_312 = arith.constant 0 : index
      %get3A_313 = vector.load %arg7[%get3A_311, %get3A_312] : memref<12288x128xf32, #tpu.memory_space<vmem>>, vector<4096x128xf32>
      %get3A_314 = arith.constant 0 : index
      %get3A_315 = arith.constant 0 : index
      %get3A_316 = vector.load %arg8[%get3A_314, %get3A_315] : memref<12288x128xf32, #tpu.memory_space<vmem>>, vector<4096x128xf32>
      %add3A_317 = arith.addf %get3A_313, %get3A_316 : vector<4096x128xf32>
      %get3A_318 = arith.constant 4096 : index
      %get3A_319 = arith.constant 0 : index
      %get3A_320 = vector.load %arg7[%get3A_318, %get3A_319] : memref<12288x128xf32, #tpu.memory_space<vmem>>, vector<4096x128xf32>
      %get3A_321 = arith.constant 4096 : index
      %get3A_322 = arith.constant 0 : index
      %get3A_323 = vector.load %arg8[%get3A_321, %get3A_322] : memref<12288x128xf32, #tpu.memory_space<vmem>>, vector<4096x128xf32>
      %add3A_324 = arith.addf %get3A_320, %get3A_323 : vector<4096x128xf32>
      %get3A_325 = arith.constant 8192 : index
      %get3A_326 = arith.constant 0 : index
      %get3A_327 = vector.load %arg7[%get3A_325, %get3A_326] : memref<12288x128xf32, #tpu.memory_space<vmem>>, vector<4096x128xf32>
      %get3A_328 = arith.constant 8192 : index
      %get3A_329 = arith.constant 0 : index
      %get3A_330 = vector.load %arg8[%get3A_328, %get3A_329] : memref<12288x128xf32, #tpu.memory_space<vmem>>, vector<4096x128xf32>
      %add3A_331 = arith.addf %get3A_327, %get3A_330 : vector<4096x128xf32>
      %mul3A_332 = arith.mulf %add3A_317, %add3A_324 : vector<4096x128xf32>
      %broadcast_in_dim3A_333 = arith.constant 1.000000e+00 : f32
      %broadcast_in_dim3A_334 = vector.broadcast %broadcast_in_dim3A_333 : f32 to vector<128x1xf32>
      %dot_general3A_335 = arith.constant dense<0.000000e+00> : vector<4096x1xf32>
      %dot_general3A_336 = tpu.matmul %mul3A_332, %broadcast_in_dim3A_334, %dot_general3A_335 {dimension_numbers = #tpu.dot_dimension_numbers<[1], [0], [0], [1], [0, 0, 1, 1], [], []>, transpose_lhs_hint = false} : vector<4096x128xf32>, vector<128x1xf32>, vector<4096x1xf32> -> vector<4096x1xf32>
      %mul3A_337 = arith.mulf %add3A_317, %add3A_331 : vector<4096x128xf32>
      %broadcast_in_dim3A_338 = arith.constant 1.000000e+00 : f32
      %broadcast_in_dim3A_339 = vector.broadcast %broadcast_in_dim3A_338 : f32 to vector<128x1xf32>
      %dot_general3A_340 = arith.constant dense<0.000000e+00> : vector<4096x1xf32>
      %dot_general3A_341 = tpu.matmul %mul3A_337, %broadcast_in_dim3A_339, %dot_general3A_340 {dimension_numbers = #tpu.dot_dimension_numbers<[1], [0], [0], [1], [0, 0, 1, 1], [], []>, transpose_lhs_hint = false} : vector<4096x128xf32>, vector<128x1xf32>, vector<4096x1xf32> -> vector<4096x1xf32>
      %sub3A_342 = arith.subf %dot_general3A_336, %dot_general3A_341 : vector<4096x1xf32>
      %neg3A_343 = arith.constant 0.000000e+00 : f32
      %neg3A_344 = vector.broadcast %neg3A_343 : f32 to vector<4096x1xf32>
      %neg3A_345 = arith.subf %neg3A_344, %sub3A_342 : vector<4096x1xf32>
      %exp3A_346 = math.exp %neg3A_345 : vector<4096x1xf32>
      %add3A_347 = arith.constant 1.000000e+00 : f32
      %add3A_348 = vector.broadcast %add3A_347 : f32 to vector<4096x1xf32>
      %add3A_349 = arith.addf %add3A_348, %exp3A_346 : vector<4096x1xf32>
      %div3A_350 = arith.constant 1.000000e+00 : f32
      %div3A_351 = vector.broadcast %div3A_350 : f32 to vector<4096x1xf32>
      %div3A_352 = arith.divf %div3A_351, %add3A_349 : vector<4096x1xf32>
      %add3A_353 = arith.constant 1.000000e-10 : f32
      %add3A_354 = vector.broadcast %add3A_353 : f32 to vector<4096x1xf32>
      %add3A_355 = arith.addf %add3A_354, %div3A_352 : vector<4096x1xf32>
      %log3A_356 = math.log %add3A_355 : vector<4096x1xf32>
      %neg3A_357 = arith.constant 0.000000e+00 : f32
      %neg3A_358 = vector.broadcast %neg3A_357 : f32 to vector<4096x1xf32>
      %neg3A_359 = arith.subf %neg3A_358, %log3A_356 : vector<4096x1xf32>
      %reduce_sum3A_360 = vector.shape_cast %neg3A_359 : vector<4096x1xf32> to vector<1x4096x1xf32>
      %reduce_sum3A_361 = arith.constant dense<0.000000e+00> : vector<1xf32>
      %reduce_sum3A_362 = vector.multi_reduction <add>, %reduce_sum3A_360, %reduce_sum3A_361 [1, 2] : vector<1x4096x1xf32> to vector<1xf32>
      %reduce_sum3A_363 = vector.shape_cast %reduce_sum3A_362 : vector<1xf32> to vector<1x1x1xf32>
      %reduce_sum3A_364 = vector.extract %reduce_sum3A_363[0, 0, 0] : f32 from vector<1x1x1xf32>
      %div3A_365 = arith.constant 4.096000e+03 : f32
      %div3A_366 = arith.divf %reduce_sum3A_364, %div3A_365 : f32
      %mul3A_367 = arith.mulf %get3A_313, %get3A_313 : vector<4096x128xf32>
      %broadcast_in_dim3A_368 = arith.constant 1.000000e+00 : f32
      %broadcast_in_dim3A_369 = vector.broadcast %broadcast_in_dim3A_368 : f32 to vector<128x1xf32>
      %dot_general3A_370 = arith.constant dense<0.000000e+00> : vector<4096x1xf32>
      %dot_general3A_371 = tpu.matmul %mul3A_367, %broadcast_in_dim3A_369, %dot_general3A_370 {dimension_numbers = #tpu.dot_dimension_numbers<[1], [0], [0], [1], [0, 0, 1, 1], [], []>, transpose_lhs_hint = false} : vector<4096x128xf32>, vector<128x1xf32>, vector<4096x1xf32> -> vector<4096x1xf32>
      %reduce_sum3A_372 = vector.shape_cast %dot_general3A_371 : vector<4096x1xf32> to vector<1x4096x1xf32>
      %reduce_sum3A_373 = arith.constant dense<0.000000e+00> : vector<1xf32>
      %reduce_sum3A_374 = vector.multi_reduction <add>, %reduce_sum3A_372, %reduce_sum3A_373 [1, 2] : vector<1x4096x1xf32> to vector<1xf32>
      %reduce_sum3A_375 = vector.shape_cast %reduce_sum3A_374 : vector<1xf32> to vector<1x1x1xf32>
      %reduce_sum3A_376 = vector.extract %reduce_sum3A_375[0, 0, 0] : f32 from vector<1x1x1xf32>
      %div3A_377 = arith.constant 4.096000e+03 : f32
      %div3A_378 = arith.divf %reduce_sum3A_376, %div3A_377 : f32
      %mul3A_379 = arith.mulf %add3A_324, %add3A_324 : vector<4096x128xf32>
      %broadcast_in_dim3A_380 = arith.constant 1.000000e+00 : f32
      %broadcast_in_dim3A_381 = vector.broadcast %broadcast_in_dim3A_380 : f32 to vector<128x1xf32>
      %dot_general3A_382 = arith.constant dense<0.000000e+00> : vector<4096x1xf32>
      %dot_general3A_383 = tpu.matmul %mul3A_379, %broadcast_in_dim3A_381, %dot_general3A_382 {dimension_numbers = #tpu.dot_dimension_numbers<[1], [0], [0], [1], [0, 0, 1, 1], [], []>, transpose_lhs_hint = false} : vector<4096x128xf32>, vector<128x1xf32>, vector<4096x1xf32> -> vector<4096x1xf32>
      %reduce_sum3A_384 = vector.shape_cast %dot_general3A_383 : vector<4096x1xf32> to vector<1x4096x1xf32>
      %reduce_sum3A_385 = arith.constant dense<0.000000e+00> : vector<1xf32>
      %reduce_sum3A_386 = vector.multi_reduction <add>, %reduce_sum3A_384, %reduce_sum3A_385 [1, 2] : vector<1x4096x1xf32> to vector<1xf32>
      %reduce_sum3A_387 = vector.shape_cast %reduce_sum3A_386 : vector<1xf32> to vector<1x1x1xf32>
      %reduce_sum3A_388 = vector.extract %reduce_sum3A_387[0, 0, 0] : f32 from vector<1x1x1xf32>
      %div3A_389 = arith.constant 4.096000e+03 : f32
      %div3A_390 = arith.divf %reduce_sum3A_388, %div3A_389 : f32
      %add3A_391 = arith.addf %div3A_378, %div3A_390 : f32
      %mul3A_392 = arith.mulf %add3A_331, %add3A_331 : vector<4096x128xf32>
      %broadcast_in_dim3A_393 = arith.constant 1.000000e+00 : f32
      %broadcast_in_dim3A_394 = vector.broadcast %broadcast_in_dim3A_393 : f32 to vector<128x1xf32>
      %dot_general3A_395 = arith.constant dense<0.000000e+00> : vector<4096x1xf32>
      %dot_general3A_396 = tpu.matmul %mul3A_392, %broadcast_in_dim3A_394, %dot_general3A_395 {dimension_numbers = #tpu.dot_dimension_numbers<[1], [0], [0], [1], [0, 0, 1, 1], [], []>, transpose_lhs_hint = false} : vector<4096x128xf32>, vector<128x1xf32>, vector<4096x1xf32> -> vector<4096x1xf32>
      %reduce_sum3A_397 = vector.shape_cast %dot_general3A_396 : vector<4096x1xf32> to vector<1x4096x1xf32>
      %reduce_sum3A_398 = arith.constant dense<0.000000e+00> : vector<1xf32>
      %reduce_sum3A_399 = vector.multi_reduction <add>, %reduce_sum3A_397, %reduce_sum3A_398 [1, 2] : vector<1x4096x1xf32> to vector<1xf32>
      %reduce_sum3A_400 = vector.shape_cast %reduce_sum3A_399 : vector<1xf32> to vector<1x1x1xf32>
      %reduce_sum3A_401 = vector.extract %reduce_sum3A_400[0, 0, 0] : f32 from vector<1x1x1xf32>
      %div3A_402 = arith.constant 4.096000e+03 : f32
      %div3A_403 = arith.divf %reduce_sum3A_401, %div3A_402 : f32
      %add3A_404 = arith.addf %add3A_391, %div3A_403 : f32
      %mul3A_405 = arith.constant 5.000000e-01 : f32
      %mul3A_406 = arith.mulf %mul3A_405, %add3A_404 : f32
      %mul3A_407 = arith.constant 9.99999974E-6 : f32
      %mul3A_408 = arith.mulf %mul3A_407, %mul3A_310 : f32
      %add3A_409 = arith.addf %div3A_273, %mul3A_408 : f32
      %add3A_410 = arith.addf %add3A_409, %div3A_366 : f32
      %mul3A_411 = arith.constant 9.99999974E-6 : f32
      %mul3A_412 = arith.mulf %mul3A_411, %mul3A_406 : f32
      %add3A_413 = arith.addf %add3A_410, %mul3A_412 : f32
      %swap3A_414 = arith.constant 0 : index
      %swap3A_415 = arith.constant 0 : index
      %swap3A_416 = memref.load %arg9[%swap3A_414, %swap3A_415] : memref<1x1xf32, #tpu.memory_space<smem>>
      memref.store %add3A_413, %arg9[%swap3A_414, %swap3A_415] : memref<1x1xf32, #tpu.memory_space<smem>>
    } else {
    }
    return
  }
  func.func @transform_0(%arg0: i32) -> (i32, i32) {
    %c0_i32 = arith.constant 0 : i32
    %c0_i32_0 = arith.constant 0 : i32
    %c0_i32_1 = arith.constant 0 : i32
    return %c0_i32, %c0_i32_0 : i32, i32
  }
  func.func @transform_1(%arg0: i32) -> (i32, i32, i32) {
    %c0_i32 = arith.constant 0 : i32
    %c0_i32_0 = arith.constant 0 : i32
    %c0_i32_1 = arith.constant 0 : i32
    return %c0_i32, %arg0, %c0_i32_0 : i32, i32, i32
  }
  func.func @transform_2(%arg0: i32) -> (i32, i32) {
    %c0_i32 = arith.constant 0 : i32
    %c0_i32_0 = arith.constant 0 : i32
    %c0_i32_1 = arith.constant 0 : i32
    return %c0_i32, %c0_i32_0 : i32, i32
  }
  func.func @transform_3(%arg0: i32) -> (i32, i32) {
    %c0_i32 = arith.constant 0 : i32
    %c0_i32_0 = arith.constant 0 : i32
    return %arg0, %c0_i32 : i32, i32
  }
  func.func @transform_4(%arg0: i32) -> (i32, i32) {
    %c0_i32 = arith.constant 0 : i32
    %c0_i32_0 = arith.constant 0 : i32
    %c0_i32_1 = arith.constant 0 : i32
    return %c0_i32, %c0_i32_0 : i32, i32
  }
  func.func @transform_5(%arg0: i32) -> (i32, i32) {
    %c0_i32 = arith.constant 0 : i32
    %c0_i32_0 = arith.constant 0 : i32
    %c0_i32_1 = arith.constant 0 : i32
    return %c0_i32, %c0_i32_0 : i32, i32
  }
  func.func @transform_6(%arg0: i32) -> (i32, i32) {
    %c0_i32 = arith.constant 0 : i32
    %c0_i32_0 = arith.constant 0 : i32
    %c0_i32_1 = arith.constant 0 : i32
    return %c0_i32, %c0_i32_0 : i32, i32
  }
  func.func @transform_7(%arg0: i32) -> (i32, i32) {
    %c0_i32 = arith.constant 0 : i32
    %c0_i32_0 = arith.constant 0 : i32
    %c0_i32_1 = arith.constant 0 : i32
    return %c0_i32, %c0_i32_0 : i32, i32
  }
  func.func @transform_8(%arg0: i32) -> (i32, i32) {
    %c0_i32 = arith.constant 0 : i32
    %c0_i32_0 = arith.constant 0 : i32
    %c0_i32_1 = arith.constant 0 : i32
    return %c0_i32, %c0_i32_0 : i32, i32
  }
}

</mosaic_0001>

<sc_bundles>
// kernel: kernel.4.cloned.1.call-start
scs
__scs_entry_jumppad:
0x0: {  	(pc) =	sbr.rel $0x88, $3  }
0x1: {  	(tag) =	ssettag $0x0;
	lr =	simm.s32 $0x1  }
0x2: {  	[smem:$0x3F96] =	sst lr;
	_ =	strace $0xD0000000  }
0x3: {  	_ = 	snop  }
0x4: {  	_ = 	snop  }
0x5: {  	_ = 	snop  }
0x6: {  	_ = 	snop  }
0x7: {  	_ = 	snop  }
__scs_overlays_trampoline_lowered:
0x8: {  	[smem:$0x3FA5] =	sst s0  }
0x9: {  	[smem:$0x3FA6] =	sst s1  }
0xa: {  	[smem:$0x3FA7] =	sst s2  }
0xb: {  	[smem:$0x3FA8] =	sst s3  }
0xc: {  	[smem:$0x3FA9] =	sst s4  }
0xd: {  	[smem:$0x3FAA] =	sst s5  }
0xe: {  	[smem:$0x3FAB] =	sst s6  }
0xf: {  	[smem:$0x3FAC] =	sst s7  }
0x10: {  	[smem:$0x3FAD] =	sst s8  }
0x11: {  	[smem:$0x3FAE] =	sst s9;
	s0 =	simm.s32 @!p0 $0x0  }
0x12: {  	s1 =	sld [smem:$0x3F94];
	s0 =	simm.s32 @p0 $0x1  }
0x13: {  	[smem:$0x3FAF] =	sst s0;
	s0 =	simm.s32 @!p1 $0x0  }
0x14: {  	s2 =	sld [smem:$0x3F93];
	s0 =	simm.s32 @p1 $0x1  }
0x15: {  	[smem:$0x3FB0] =	sst s0;
	s0 =	simm.s32 @!p2 $0x0  }
0x16: {  	s3 =	sld [smem:$0x3FDB];
	s0 =	simm.s32 @p2 $0x1  }
0x17: {  	s4 =	simm.s32 $0x1BF5;
	[smem:$0x3FB2] =	sst s0  }
0x18: {  	s0 =	sld [smem:$0x3F95];
	_ =	swait.ge [sflag:s4], $0x0  }
0x19: {  	s7 =	sld [smem:$0x3F96]  }
0x1a: {  	s8 =	sadd.s32 $0xFFFFE003, lr  }
0x1b: {  	s9 =	sadd.s32 $0xFFFFFEF7, lr;
	s5 =	simm.s32 $0xFFFFFFFF;
	p2 =	slt.u32 s8, $0xFFFFF086  }
0x1c: {  	p1 =	slt.u32 s9, $0xF7A;
	s5 =	simm.s32 @!p2 $0x0  }
0x1d: {  	s5 =	simm.s32 @p1 $0x1;
	p0 =	seq.s32 s7, s2  }
0x1e: {  	s7 =	smul.u32 @!p0 $0xF7A, s2;
	p2 =	seq.s32 @!p0 s5, $0x0  }
0x1f: {  	s9 =	smul.u32 $0xF7A, s1;
	s8 =	simm.s32 @!p0 $0x1BF5;
	p2 =	por !p2, p0  }
0x20: {  	[sflag:s8] =	ssyncset.s32 @!p0 $0xFFFFF086;
	s6 =	sadd.s32 @!p0 s3, s7;
	s7 =	simm.s32 @!p0 $0x108  }
0x21: {  	s3 =	sadd.s32 s3, s9;
	s6 =	sadd.s32 @!p0 $0x88, s6;
	s7 =	simm.s32 @p2 $0x1082  }
0x22: {  	[simem:s7], [sflag:s8] =	dma.local @!p0 [hbm:s6], $0xF7A  }
0x23: {  	s9 =	sor.u32 $0xD0000000, s2;
	s6 =	simm.s32 $0x108;
	_ =	swait.ge @!p0 [sflag:s8], $0x0  }
0x24: {  	s3 =	sadd.s32 $0x88, s3;
	s6 =	simm.s32 @!p1 $0x1082;
	[sflag:s4] =	ssyncset.s32 $0xFFFFF086  }
0x25: {  	[simem:s6], [sflag:s4] =	dma.local [hbm:s3], $0xF7A  }
0x26: {  	[smem:$0x3F96] =	sst s1;
	(tag) =	ssettag s2;
	_ =	strace s9  }
0x27: {  	s1 =	sld [smem:$0x3FA6]  }
0x28: {  	s2 =	sld [smem:$0x3FA7]  }
0x29: {  	s4 =	sld [smem:$0x3FA9]  }
0x2a: {  	p0 =	seq.s32 s5, $0x0;
	s5 =	sld [smem:$0x3FAA]  }
0x2b: {  	s6 =	sld [smem:$0x3FAB]  }
0x2c: {  	s7 =	sld [smem:$0x3FAC]  }
0x2d: {  	s3 =	simm.s32 $0x108;
	s8 =	sld [smem:$0x3FAD]  }
0x2e: {  	s3 =	simm.s32 @!p0 $0x1082;
	s9 =	sld [smem:$0x3FAE]  }
0x2f: {  	lr =	sadd.s32 s0, s3;
	s0 =	sld [smem:$0x3FA5]  }
0x30: {  	s3 =	sld [smem:$0x3FA8]  }
0x31: {  	[smem:$0x3FB1] =	sst s10  }
0x32: {  	s10 =	sld [smem:$0x3FAF];
	_ =	sdelay $0x3  }
0x33: {  	p0 =	seq.s32 s10, $0x1;
	s10 =	sld [smem:$0x3FB1];
	_ =	sdelay $0x3  }
0x34: {  	[smem:$0x3FB1] =	sst s10  }
0x35: {  	s10 =	sld [smem:$0x3FB0];
	_ =	sdelay $0x3  }
0x36: {  	p1 =	seq.s32 s10, $0x1;
	s10 =	sld [smem:$0x3FB1];
	_ =	sdelay $0x3  }
0x37: {  	[smem:$0x3FB1] =	sst s10  }
0x38: {  	s10 =	sld [smem:$0x3FB2]  }
0x39: {  	_ = 	snop;
	(pc) =	sbr.ind lr, $3  }
0x3a: {  	_ = 	snop  }
0x3b: {  	_ = 	snop  }
0x3c: {  	p2 =	seq.s32 s10, $0x1;
	s10 =	sld [smem:$0x3FB1]  }
0x3d: {  	_ =	shalt  }
0x3e: {  	_ =	shalt  }
0x3f: {  	_ =	shalt  }
0x40: {  	_ =	shalt  }
0x41: {  	_ =	shalt  }
0x42: {  	_ =	shalt  }
0x43: {  	_ =	shalt  }
0x44: {  	_ =	shalt  }
0x45: {  	_ =	shalt  }
0x46: {  	_ =	shalt  }
0x47: {  	_ =	shalt  }
0x48: {  	_ =	shalt  }
0x49: {  	_ =	shalt  }
0x4a: {  	_ =	shalt  }
0x4b: {  	_ =	shalt  }
0x4c: {  	_ =	shalt  }
0x4d: {  	_ =	shalt  }
0x4e: {  	_ =	shalt  }
0x4f: {  	_ =	shalt  }
0x50: {  	_ =	shalt  }
0x51: {  	_ =	shalt  }
0x52: {  	_ =	shalt  }
0x53: {  	_ =	shalt  }
0x54: {  	_ =	shalt  }
0x55: {  	_ =	shalt  }
0x56: {  	_ =	shalt  }
0x57: {  	_ =	shalt  }
0x58: {  	_ =	shalt  }
0x59: {  	_ =	shalt  }
0x5a: {  	_ =	shalt  }
0x5b: {  	_ =	shalt  }
0x5c: {  	_ =	shalt  }
0x5d: {  	_ =	shalt  }
0x5e: {  	_ =	shalt  }
0x5f: {  	_ =	shalt  }
0x60: {  	_ =	shalt  }
0x61: {  	_ =	shalt  }
0x62: {  	_ =	shalt  }
0x63: {  	_ =	shalt  }
0x64: {  	_ =	shalt  }
0x65: {  	_ =	shalt  }
0x66: {  	_ =	shalt  }
0x67: {  	_ =	shalt  }
0x68: {  	_ =	shalt  }
0x69: {  	_ =	shalt  }
0x6a: {  	_ =	shalt  }
0x6b: {  	_ =	shalt  }
0x6c: {  	_ =	shalt  }
0x6d: {  	_ =	shalt  }
0x6e: {  	_ =	shalt  }
0x6f: {  	_ =	shalt  }
0x70: {  	_ =	shalt  }
0x71: {  	_ =	shalt  }
0x72: {  	_ =	shalt  }
0x73: {  	_ =	shalt  }
0x74: {  	_ =	shalt  }
0x75: {  	_ =	shalt  }
0x76: {  	_ =	shalt  }
0x77: {  	_ =	shalt  }
0x78: {  	_ =	shalt  }
0x79: {  	_ =	shalt  }
0x7a: {  	_ =	shalt  }
0x7b: {  	_ =	shalt  }
0x7c: {  	_ =	shalt  }
0x7d: {  	_ =	shalt  }
0x7e: {  	_ =	shalt  }
0x7f: {  	_ =	shalt  }
0x80: {  	_ =	shalt  }
0x81: {  	_ =	shalt  }
0x82: {  	_ =	shalt  }
0x83: {  	_ =	shalt  }
0x84: {  	_ =	shalt  }
0x85: {  	_ =	shalt  }
0x86: {  	_ =	shalt  }
0x87: {  	_ =	shalt  }
.Lfunc_end0:
.L_simem_size_0:
called_computation_lowered:
.L_overlay_start_0:
0x88: {  	s2 =	sld [smem:$0x3FD9]  }
0x89: {  	s3 =	sld [smem:$0x3FFE];
	_ =	sdelay $0x1  }
0x8a: {  	s1 =	srdreg.scid  }
0x8b: {  	s0 =	sand.u32 $0x1, s1  }
0x8c: {  	s17 =	sshll.u32 s0, $0xA;
	s2 =	sadd.s32 s3, s2  }
0x8d: {  	s2 =	sadd.s32 s2, s17  }
0x8e: {  	[smem:$0x3FBD] =	sst s2  }
0x8f: {  	_ = 	snop  }
0x90: {  	s2 =	sld [smem:$0x3FC2]  }
0x91: {  	s18 =	sld [smem:$0x3FC1];
	(tm) =	ssettm $0x1  }
0x92: {  	s4 =	sld [smem:$0x3FFB];
	_ =	sdelay $0x3  }
0x93: {  	_ =	strace s4  }
0x94: {  	s4 =	sld [smem:$0x3FFC];
	_ =	sdelay $0x3  }
0x95: {  	_ =	strace s4  }
0x96: {  	s4 =	sld [smem:$0x3FFD];
	_ =	sdelay $0x3  }
0x97: {  	_ =	strace s4  }
0x98: {  	_ =	strace $0x8FFFFFFF  }
0x99: {  	s19 =	sld [smem:$0x3FDB];
	_ =	sdelay $0x1  }
0x9a: {  	s5 =	simm.s32 $_scs_section_size  }
0x9b: {  	s6 =	simm.s32 $_size__tile_overlayer_lowered;
	s7 =	simm.s32 $_tile_overlayer_lowered  }
0x9c: {  	s22 =	simm.s32 $0x1BFF;
	s21 =	sshll.u32 s7, $0x1;
	s4 =	sadd.s32 s5, s19  }
0x9d: {  	s8 =	simm.s32 $0x0;
	s20 =	sshll.u32 s6, $0x1;
	s6 =	sadd.s32 s21, s4  }
0x9e: {  	[timem:s8], [sflag:s22] =	dma.local [hbm:s6], s20  }
0x9f: {  	_ =	swait.ge [sflag:s22], s20  }
0xa0: {  	s5 =	ssub.s32 $0x0, s20;
	[sflag:s22] =	ssyncset.done $0x0  }
0xa1: {  	[sflag:s22] =	ssyncadd.s32 s5;
	_ =	sdelay $0x1  }
0xa2: {  	s23 =	simm.s32 $0x1B8B  }
0xa3: {  	_ =	swait.ge [sflag:s23], $0x1  }
0xa4: {  	[sflag:s23] =	ssyncset.done $0x0  }
0xa5: {  	s25 =	simm.s32 $0x1B8E;
	s24 =	sld [smem:$0x3FFE];
	[sflag:s23] =	ssyncadd.s32 $0xFFFFFFFF  }
0xa6: {  	s26 =	simm.s32 $execute0_lowered;
	[smem:$0x3FD2] =	sst s25  }
0xa7: {  	s6 =	sshll.u32 s26, $0x1;
	_ =	strace $0x80000046;
	[dreg:$0x1] =	wrdreg $0xFFFFFFFF  }
0xa8: {  	s28 =	simm.s32 $_size_execute0_lowered;
	s4 =	sadd.s32 s4, s6;
	[dreg:$0x0] =	wrdreg $0x0  }
0xa9: {  	s6 =	sshll.u32 s28, $0x1;
	[dreg:$0x2] =	wrdreg s4  }
0xaa: {  	[dreg:$0x3] =	wrdreg s6  }
0xab: {  	[dreg:$0x4] =	wrdreg $0xC0  }
0xac: {  	_ =	task [dreg:s8], $0x5FFFF  }
0xad: {  	[dreg:$0x1] =	wrdreg $0xFFFFFFFF  }
0xae: {  	[dreg:$0x0] =	wrdreg $0x60  }
0xaf: {  	[dreg:$0x2] =	wrdreg s24  }
0xb0: {  	[dreg:$0x3] =	wrdreg s18  }
0xb1: {  	[dreg:$0x4] =	wrdreg s2  }
0xb2: {  	[dreg:$0x5] =	wrdreg $0x9  }
0xb3: {  	_ =	task.clear_ibuf [dreg:s8], $0x6FFFF;
	_ =	strace $0x90000046  }
0xb4: {  	s29 =	simm.s32 $0x9;
	_ =	strace $0x80000048  }
0xb5: {  	_ =	swait.ge [sflag:s29], $0x1  }
0xb6: {  	[sflag:s29] =	ssyncadd.s32 $0xFFFFFFFF  }
0xb7: {  	_ =	strace $0x90000048  }
0xb8: {  	_ =	sfence  }
0xb9: {  	s30 =	sld [smem:$0x0];
	_ =	sdelay $0x2  }
0xba: {  	s31 =	sshll.u32 s1, $0xD;
	s1 =	sshrl.u32 s1, $0x2  }
0xbb: {  	s3 =	sand.u32 $0x4000, s31;
	s1 =	sadd.s32 s1, s30  }
0xbc: {  	s0 =	sor.u32 s3, s0;
	s1 =	sshll.u32 s1, $0x11  }
0xbd: {  	s0 =	sor.u32 s1, s0  }
0xbe: {  	s0 =	sadd.s32 $0x8F2B, s0  }
0xbf: {  	[sflag:s0] =	ssyncadd.remote.s32 $0x1  }
0xc0: {  	_ =	sfence.sel $0xFFFF  }
0xc1: {  	[dreg:$0x0] =	wrdreg $0xFFFFFFFF;
	(pc) =	sbr.abs _section_cstart, $3  }
0xc2: {  	[dreg:$0x1] =	wrdreg $0xFFFFFFFF  }
0xc3: {  	_ =	task.clear_ibuf [dreg:s8], $0x2FFFF;
	_ =	strace $0x9FFFFFFF  }
0xc4: {  	(tm) =	ssettm $0x7FFFFFFF  }
0xc5: {  	_ =	shalt  }
tec
execute0_lowered:
.L_overlay_start_1:
0x0: {  	(tag) =	ssettag $0x1  }
0x1: {  	s6 =	rddreg [dreg:$0x0]  }
0x2: {  	s1 =	srdreg.scid;
	s0 =	stileid.u32  }
0x3: {  	s2 =	rddreg [dreg:$0x1];
	s1 =	sand.u32 $0x1, s1;
	s5 =	sshll.u32 s0, $0x1  }
0x4: {  	s3 =	rddreg [dreg:$0x2];
	s4 =	simm.s32 $0x0;
	s7 =	sor.u32 s1, s5  }
0x5: {  	[smem:$0x7FF] =	sst s4;
	s9 =	sadd.s32 $0x1000, s6;
	s5 =	sshll.u32 s7, $0x6  }
0x6: {  	s20 =	sadd.s32 $0x31000, s6;
	s8 =	smul.u32 $0xC000, s7;
	s5 =	sadd.s32 s6, s5  }
0x7: {  	_ =	strace $0x80000047;
	s7 =	smul.u32 $0x1800, s7;
	s10 =	sadd.s32 $0x800, s5  }
0x8: {  	[tilespmem:s4], [sflag:$0xD] =	stream.linear.gather [hbm4b:s5+s4], $0x180, $0x38;
	[tilespmem:$0x18400] =	vst v63  }
0x9: {  	s29 =	sadd.s32 $0x61000, s6;
	s18 =	sadd.s32 s9, s7;
	[dreg:$0x4] =	wrdreg s10  }
0xa: {  	s8 =	sshrl.u32 s8, $0x3;
	s21 =	sadd.s32 s20, s7;
	[dreg:$0x5] =	wrdreg s18  }
0xb: {  	s24 =	sadd.s32 s29, s7;
	s11 =	sadd.s32 $0x800, s8;
	[dreg:$0x8] =	wrdreg s21  }
0xc: {  	s28 =	sadd.s32 $0x1000, s8;
	[dreg:$0xb] =	wrdreg s24;
	s19 =	sadd.s32 s9, s11  }
0xd: {  	s9 =	sadd.s32 s9, s28;
	[dreg:$0x6] =	wrdreg s19  }
0xe: {  	s22 =	sadd.s32 s20, s11;
	[dreg:$0x7] =	wrdreg s9  }
0xf: {  	s23 =	sadd.s32 s20, s28;
	[dreg:$0x9] =	wrdreg s22  }
0x10: {  	s25 =	sadd.s32 s29, s11;
	[dreg:$0xa] =	wrdreg s23  }
0x11: {  	s6 =	simm.s32 $0xD;
	[dreg:$0xc] =	wrdreg s25  }
0x12: {  	_ =	swait.ge [sflag:s6], $0x180  }
0x13: {  	[sflag:s6] =	ssyncset.done $0x0  }
0x14: {  	s7 =	simm.s32 $0x200;
	s26 =	rddreg [dreg:$0x4];
	[sflag:s6] =	ssyncadd.s32 $0xFFFFFE80  }
0x15: {  	[tilespmem:s7], [sflag:$0xD] =	stream.linear.gather [hbm4b:s26+s4], $0x180, $0x38;
	[tilespmem:$0x18400] =	vst v63  }
0x16: {  	_ =	swait.ge [sflag:s6], $0x180  }
0x17: {  	[sflag:s6] =	ssyncset.done $0x0  }
0x18: {  	s8 =	simm.s32 $0x80;
	s9 =	simm.s32 $0x400;
	[sflag:s6] =	ssyncadd.s32 $0xFFFFFE80  }
0x19: {  	[tilespmem:s9], [sflag:$0x1] =	stream.indirect.gather [hbm4b:s2+s8], $0x80, s4, s8, $0xb8;
	[tilespmem:$0x18400] =	vst v63  }
0x1a: {  	s10 =	simm.s32 $0x4400  }
0x1b: {  	[tilespmem:s10], [sflag:$0x2] =	stream.indirect.gather [hbm4b:s2+s8], $0x80, s8, s8, $0xb8;
	[tilespmem:$0x18400] =	vst v63  }
0x1c: {  	s12 =	simm.s32 $0x8400;
	s11 =	simm.s32 $0x100  }
0x1d: {  	[tilespmem:s12], [sflag:$0x3] =	stream.indirect.gather [hbm4b:s2+s8], $0x80, s11, s8, $0xb8;
	[tilespmem:$0x18400] =	vst v63  }
0x1e: {  	s13 =	simm.s32 $0xC400  }
0x1f: {  	[tilespmem:s13], [sflag:$0x4] =	stream.indirect.gather [hbm4b:s3+s8], $0x80, s7, s8, $0xb8;
	[tilespmem:$0x18400] =	vst v63  }
0x20: {  	s14 =	simm.s32 $0x280;
	s15 =	simm.s32 $0x10400  }
0x21: {  	[tilespmem:s15], [sflag:$0x5] =	stream.indirect.gather [hbm4b:s3+s8], $0x80, s14, s8, $0xb8;
	[tilespmem:$0x18400] =	vst v63  }
0x22: {  	s16 =	simm.s32 $0x300;
	s17 =	simm.s32 $0x14400;
	s18 =	simm.s32 $0x1  }
0x23: {  	[tilespmem:s17], [sflag:$0x6] =	stream.indirect.gather [hbm4b:s3+s8], $0x80, s16, s8, $0xb8;
	[tilespmem:$0x18400] =	vst v63  }
0x24: {  	_ =	swait.ge [sflag:s18], $0x4000  }
0x25: {  	[sflag:s18] =	ssyncset.done $0x0  }
0x26: {  	s19 =	simm.s32 $0x7;
	s20 =	rddreg [dreg:$0x5];
	[sflag:s18] =	ssyncadd.s32 $0xFFFFC000  }
0x27: {  	[hbm4b:s20+s4] =	stream.linear.scatter [tilespmem:s9], [sflag:$0x7], $0x4000, $0x38;
	[tilespmem:$0x18400] =	vst v63  }
0x28: {  	_ =	swait.ge [sflag:s19], $0x4000  }
0x29: {  	[sflag:s19] =	ssyncset.done $0x0  }
0x2a: {  	s20 =	simm.s32 $0x2;
	[sflag:s19] =	ssyncadd.s32 $0xFFFFC000  }
0x2b: {  	[tilespmem:s9], [sflag:$0x1] =	stream.indirect.gather [hbm4b:s2+s8], $0x80, s7, s8, $0xb8;
	[tilespmem:$0x18400] =	vst v63  }
0x2c: {  	_ =	swait.ge [sflag:s20], $0x4000  }
0x2d: {  	[sflag:s20] =	ssyncset.done $0x0  }
0x2e: {  	s21 =	simm.s32 $0x8;
	s22 =	rddreg [dreg:$0x6];
	[sflag:s20] =	ssyncadd.s32 $0xFFFFC000  }
0x2f: {  	[hbm4b:s22+s4] =	stream.linear.scatter [tilespmem:s10], [sflag:$0x8], $0x4000, $0x38;
	[tilespmem:$0x18400] =	vst v63  }
0x30: {  	_ =	swait.ge [sflag:s21], $0x4000  }
0x31: {  	[sflag:s21] =	ssyncset.done $0x0  }
0x32: {  	s22 =	simm.s32 $0x3;
	[sflag:s21] =	ssyncadd.s32 $0xFFFFC000  }
0x33: {  	[tilespmem:s10], [sflag:$0x2] =	stream.indirect.gather [hbm4b:s2+s8], $0x80, s14, s8, $0xb8;
	[tilespmem:$0x18400] =	vst v63  }
0x34: {  	_ =	swait.ge [sflag:s22], $0x4000  }
0x35: {  	[sflag:s22] =	ssyncset.done $0x0  }
0x36: {  	s23 =	rddreg [dreg:$0x7];
	[sflag:s22] =	ssyncadd.s32 $0xFFFFC000  }
0x37: {  	[hbm4b:s23+s4] =	stream.linear.scatter [tilespmem:s12], [sflag:$0x9], $0x4000, $0x38;
	[tilespmem:$0x18400] =	vst v63  }
0x38: {  	s23 =	simm.s32 $0x9  }
0x39: {  	_ =	swait.ge [sflag:s23], $0x4000  }
0x3a: {  	[sflag:s23] =	ssyncset.done $0x0  }
0x3b: {  	s24 =	simm.s32 $0x4;
	[sflag:s23] =	ssyncadd.s32 $0xFFFFC000  }
0x3c: {  	[tilespmem:s12], [sflag:$0x3] =	stream.indirect.gather [hbm4b:s2+s8], $0x80, s16, s8, $0xb8;
	[tilespmem:$0x18400] =	vst v63  }
0x3d: {  	_ =	swait.ge [sflag:s24], $0x4000  }
0x3e: {  	[sflag:s24] =	ssyncset.done $0x0  }
0x3f: {  	s25 =	rddreg [dreg:$0x8];
	[sflag:s24] =	ssyncadd.s32 $0xFFFFC000  }
0x40: {  	[hbm4b:s25+s4] =	stream.linear.scatter [tilespmem:s13], [sflag:$0xA], $0x4000, $0x38;
	[tilespmem:$0x18400] =	vst v63  }
0x41: {  	s25 =	simm.s32 $0x5  }
0x42: {  	_ =	swait.ge [sflag:s25], $0x4000  }
0x43: {  	[sflag:s25] =	ssyncset.done $0x0  }
0x44: {  	s26 =	rddreg [dreg:$0x9];
	[sflag:s25] =	ssyncadd.s32 $0xFFFFC000  }
0x45: {  	[hbm4b:s26+s4] =	stream.linear.scatter [tilespmem:s15], [sflag:$0xB], $0x4000, $0x38;
	[tilespmem:$0x18400] =	vst v63  }
0x46: {  	s26 =	simm.s32 $0x6  }
0x47: {  	_ =	swait.ge [sflag:s26], $0x4000  }
0x48: {  	[sflag:s26] =	ssyncset.done $0x0  }
0x49: {  	s30 =	rddreg [dreg:$0xa];
	[sflag:s26] =	ssyncadd.s32 $0xFFFFC000  }
0x4a: {  	[hbm4b:s30+s4] =	stream.linear.scatter [tilespmem:s17], [sflag:$0xC], $0x4000, $0x38;
	[tilespmem:$0x18400] =	vst v63  }
0x4b: {  	_ =	swait.ge [sflag:s18], $0x4000  }
0x4c: {  	[sflag:s18] =	ssyncset.done $0x0  }
0x4d: {  	s30 =	rddreg [dreg:$0xb];
	[sflag:s18] =	ssyncadd.s32 $0xFFFFC000  }
0x4e: {  	[hbm4b:s30+s4] =	stream.linear.scatter [tilespmem:s9], [sflag:$0x7], $0x4000, $0x38;
	[tilespmem:$0x18400] =	vst v63  }
0x4f: {  	_ =	swait.ge [sflag:s20], $0x4000  }
0x50: {  	[sflag:s20] =	ssyncset.done $0x0  }
0x51: {  	s30 =	rddreg [dreg:$0xc];
	[sflag:s20] =	ssyncadd.s32 $0xFFFFC000  }
0x52: {  	[hbm4b:s30+s4] =	stream.linear.scatter [tilespmem:s10], [sflag:$0x8], $0x4000, $0x38;
	[tilespmem:$0x18400] =	vst v63  }
0x53: {  	_ =	swait.ge [sflag:s22], $0x4000  }
0x54: {  	[sflag:s22] =	ssyncset.done $0x0  }
0x55: {  	s28 =	sadd.s32 s29, s28;
	s29 =	simm.s32 $0xA;
	[sflag:s22] =	ssyncadd.s32 $0xFFFFC000  }
0x56: {  	[hbm4b:s28+s4] =	stream.linear.scatter [tilespmem:s12], [sflag:$0x9], $0x4000, $0x38;
	[tilespmem:$0x18400] =	vst v63  }
0x57: {  	_ =	swait.ge [sflag:s29], $0x4000  }
0x58: {  	[sflag:s29] =	ssyncset.done $0x0  }
0x59: {  	s30 =	simm.s32 $0xB;
	[sflag:s29] =	ssyncadd.s32 $0xFFFFC000  }
0x5a: {  	_ =	swait.ge [sflag:s30], $0x4000  }
0x5b: {  	[sflag:s30] =	ssyncset.done $0x0  }
0x5c: {  	s31 =	simm.s32 $0xC;
	[sflag:s30] =	ssyncadd.s32 $0xFFFFC000  }
0x5d: {  	_ =	swait.ge [sflag:s31], $0x4000  }
0x5e: {  	s1 =	ssub.s32 $0x2, s1;
	[sflag:s31] =	ssyncset.done $0x0  }
0x5f: {  	s0 =	sshrl.u32 s1, $0x1;
	[sflag:s31] =	ssyncadd.s32 $0xFFFFC000  }
0x60: {  	s0 =	ssub.s32 s1, s0;
	_ =	swait.ge [sflag:s19], $0x4000  }
0x61: {  	s0 =	smax.u32 s0, $0x1;
	[sflag:s19] =	ssyncset.done $0x0  }
0x62: {  	p0 =	sne.s32 s0, $0x1;
	[sflag:s19] =	ssyncadd.s32 $0xFFFFC000  }
.Ltmp0:
0x63: {  	_ =	swait.ge [sflag:s21], $0x4000;
	(pc) =	sbr.rel @!p0 .LBB2_2-.Ltmp0, $4  }
0x64: {  	[sflag:s21] =	ssyncset.done $0x0  }
0x65: {  	[sflag:s21] =	ssyncadd.s32 $0xFFFFC000  }
0x66: {  	_ =	swait.ge [sflag:s23], $0x4000  }
0x67: {  	s1 =	sadd.s32 $0xFFFFFFFF, s0;
	[sflag:s23] =	ssyncset.done $0x0  }
.LBB2_1:
0x68: {  	[sflag:s23] =	ssyncadd.s32 $0xFFFFC000  }
0x69: {  	[tilespmem:s4], [sflag:$0xD] =	stream.linear.gather [hbm4b:s5+s4], $0x180, $0x38;
	[tilespmem:$0x18400] =	vst v63  }
0x6a: {  	_ =	swait.ge [sflag:s6], $0x180  }
0x6b: {  	[sflag:s6] =	ssyncset.done $0x0  }
0x6c: {  	s0 =	rddreg [dreg:$0x4];
	[sflag:s6] =	ssyncadd.s32 $0xFFFFFE80  }
0x6d: {  	[tilespmem:s7], [sflag:$0xD] =	stream.linear.gather [hbm4b:s0+s4], $0x180, $0x38;
	[tilespmem:$0x18400] =	vst v63  }
0x6e: {  	_ =	swait.ge [sflag:s6], $0x180  }
0x6f: {  	[sflag:s6] =	ssyncset.done $0x0  }
0x70: {  	[sflag:s6] =	ssyncadd.s32 $0xFFFFFE80  }
0x71: {  	[tilespmem:s9], [sflag:$0x1] =	stream.indirect.gather [hbm4b:s2+s8], $0x80, s4, s8, $0xb8;
	[tilespmem:$0x18400] =	vst v63  }
0x72: {  	_ = 	snop  }
0x73: {  	[tilespmem:s10], [sflag:$0x2] =	stream.indirect.gather [hbm4b:s2+s8], $0x80, s8, s8, $0xb8;
	[tilespmem:$0x18400] =	vst v63  }
0x74: {  	_ = 	snop  }
0x75: {  	[tilespmem:s12], [sflag:$0x3] =	stream.indirect.gather [hbm4b:s2+s8], $0x80, s11, s8, $0xb8;
	[tilespmem:$0x18400] =	vst v63  }
0x76: {  	_ = 	snop  }
0x77: {  	[tilespmem:s13], [sflag:$0x4] =	stream.indirect.gather [hbm4b:s3+s8], $0x80, s7, s8, $0xb8;
	[tilespmem:$0x18400] =	vst v63  }
0x78: {  	_ = 	snop  }
0x79: {  	[tilespmem:s15], [sflag:$0x5] =	stream.indirect.gather [hbm4b:s3+s8], $0x80, s14, s8, $0xb8;
	[tilespmem:$0x18400] =	vst v63  }
0x7a: {  	_ = 	snop  }
0x7b: {  	[tilespmem:s17], [sflag:$0x6] =	stream.indirect.gather [hbm4b:s3+s8], $0x80, s16, s8, $0xb8;
	[tilespmem:$0x18400] =	vst v63  }
0x7c: {  	_ =	swait.ge [sflag:s18], $0x4000  }
0x7d: {  	[sflag:s18] =	ssyncset.done $0x0  }
0x7e: {  	s0 =	rddreg [dreg:$0x5];
	[sflag:s18] =	ssyncadd.s32 $0xFFFFC000  }
0x7f: {  	[hbm4b:s0+s4] =	stream.linear.scatter [tilespmem:s9], [sflag:$0x7], $0x4000, $0x38;
	[tilespmem:$0x18400] =	vst v63  }
0x80: {  	_ =	swait.ge [sflag:s19], $0x4000  }
0x81: {  	[sflag:s19] =	ssyncset.done $0x0  }
0x82: {  	[sflag:s19] =	ssyncadd.s32 $0xFFFFC000  }
0x83: {  	[tilespmem:s9], [sflag:$0x1] =	stream.indirect.gather [hbm4b:s2+s8], $0x80, s7, s8, $0xb8;
	[tilespmem:$0x18400] =	vst v63  }
0x84: {  	_ =	swait.ge [sflag:s20], $0x4000  }
0x85: {  	[sflag:s20] =	ssyncset.done $0x0  }
0x86: {  	s0 =	rddreg [dreg:$0x6];
	[sflag:s20] =	ssyncadd.s32 $0xFFFFC000  }
0x87: {  	[hbm4b:s0+s4] =	stream.linear.scatter [tilespmem:s10], [sflag:$0x8], $0x4000, $0x38;
	[tilespmem:$0x18400] =	vst v63  }
0x88: {  	_ =	swait.ge [sflag:s21], $0x4000  }
0x89: {  	[sflag:s21] =	ssyncset.done $0x0  }
0x8a: {  	[sflag:s21] =	ssyncadd.s32 $0xFFFFC000  }
0x8b: {  	[tilespmem:s10], [sflag:$0x2] =	stream.indirect.gather [hbm4b:s2+s8], $0x80, s14, s8, $0xb8;
	[tilespmem:$0x18400] =	vst v63  }
0x8c: {  	_ =	swait.ge [sflag:s22], $0x4000  }
0x8d: {  	[sflag:s22] =	ssyncset.done $0x0  }
0x8e: {  	s0 =	rddreg [dreg:$0x7];
	[sflag:s22] =	ssyncadd.s32 $0xFFFFC000  }
0x8f: {  	[hbm4b:s0+s4] =	stream.linear.scatter [tilespmem:s12], [sflag:$0x9], $0x4000, $0x38;
	[tilespmem:$0x18400] =	vst v63  }
0x90: {  	_ =	swait.ge [sflag:s23], $0x4000  }
0x91: {  	[sflag:s23] =	ssyncset.done $0x0  }
0x92: {  	[sflag:s23] =	ssyncadd.s32 $0xFFFFC000  }
0x93: {  	[tilespmem:s12], [sflag:$0x3] =	stream.indirect.gather [hbm4b:s2+s8], $0x80, s16, s8, $0xb8;
	[tilespmem:$0x18400] =	vst v63  }
0x94: {  	_ =	swait.ge [sflag:s24], $0x4000  }
0x95: {  	[sflag:s24] =	ssyncset.done $0x0  }
0x96: {  	s0 =	rddreg [dreg:$0x8];
	[sflag:s24] =	ssyncadd.s32 $0xFFFFC000  }
0x97: {  	[hbm4b:s0+s4] =	stream.linear.scatter [tilespmem:s13], [sflag:$0xA], $0x4000, $0x38;
	[tilespmem:$0x18400] =	vst v63  }
0x98: {  	_ =	swait.ge [sflag:s25], $0x4000  }
0x99: {  	[sflag:s25] =	ssyncset.done $0x0  }
0x9a: {  	s0 =	rddreg [dreg:$0x9];
	[sflag:s25] =	ssyncadd.s32 $0xFFFFC000  }
0x9b: {  	[hbm4b:s0+s4] =	stream.linear.scatter [tilespmem:s15], [sflag:$0xB], $0x4000, $0x38;
	[tilespmem:$0x18400] =	vst v63  }
0x9c: {  	_ =	swait.ge [sflag:s26], $0x4000  }
0x9d: {  	[sflag:s26] =	ssyncset.done $0x0  }
0x9e: {  	s0 =	rddreg [dreg:$0xa];
	[sflag:s26] =	ssyncadd.s32 $0xFFFFC000  }
0x9f: {  	[hbm4b:s0+s4] =	stream.linear.scatter [tilespmem:s17], [sflag:$0xC], $0x4000, $0x38;
	[tilespmem:$0x18400] =	vst v63  }
0xa0: {  	_ =	swait.ge [sflag:s18], $0x4000  }
0xa1: {  	[sflag:s18] =	ssyncset.done $0x0  }
0xa2: {  	s0 =	rddreg [dreg:$0xb];
	[sflag:s18] =	ssyncadd.s32 $0xFFFFC000  }
0xa3: {  	[hbm4b:s0+s4] =	stream.linear.scatter [tilespmem:s9], [sflag:$0x7], $0x4000, $0x38;
	[tilespmem:$0x18400] =	vst v63  }
0xa4: {  	_ =	swait.ge [sflag:s20], $0x4000  }
0xa5: {  	[sflag:s20] =	ssyncset.done $0x0  }
0xa6: {  	s0 =	rddreg [dreg:$0xc];
	[sflag:s20] =	ssyncadd.s32 $0xFFFFC000  }
0xa7: {  	[hbm4b:s0+s4] =	stream.linear.scatter [tilespmem:s10], [sflag:$0x8], $0x4000, $0x38;
	[tilespmem:$0x18400] =	vst v63  }
0xa8: {  	_ =	swait.ge [sflag:s22], $0x4000  }
0xa9: {  	[sflag:s22] =	ssyncset.done $0x0  }
0xaa: {  	[sflag:s22] =	ssyncadd.s32 $0xFFFFC000  }
0xab: {  	[hbm4b:s28+s4] =	stream.linear.scatter [tilespmem:s12], [sflag:$0x9], $0x4000, $0x38;
	[tilespmem:$0x18400] =	vst v63  }
0xac: {  	_ =	swait.ge [sflag:s29], $0x4000  }
0xad: {  	[sflag:s29] =	ssyncset.done $0x0  }
0xae: {  	[sflag:s29] =	ssyncadd.s32 $0xFFFFC000  }
0xaf: {  	_ =	swait.ge [sflag:s30], $0x4000  }
0xb0: {  	[sflag:s30] =	ssyncset.done $0x0  }
0xb1: {  	[sflag:s30] =	ssyncadd.s32 $0xFFFFC000  }
0xb2: {  	_ =	swait.ge [sflag:s31], $0x4000  }
0xb3: {  	[sflag:s31] =	ssyncset.done $0x0  }
0xb4: {  	[sflag:s31] =	ssyncadd.s32 $0xFFFFC000  }
0xb5: {  	_ =	swait.ge [sflag:s19], $0x4000  }
0xb6: {  	[sflag:s19] =	ssyncset.done $0x0  }
0xb7: {  	p0 =	sne.s32 s1, $0x1;
	[sflag:s19] =	ssyncadd.s32 $0xFFFFC000  }
.Ltmp1:
0xb8: {  	_ =	swait.ge [sflag:s21], $0x4000;
	(pc) =	sbr.rel @p0 .LBB2_1-.Ltmp1, $4  }
0xb9: {  	[sflag:s21] =	ssyncset.done $0x0  }
0xba: {  	[sflag:s21] =	ssyncadd.s32 $0xFFFFC000  }
0xbb: {  	_ =	swait.ge [sflag:s23], $0x4000  }
0xbc: {  	s1 =	sadd.s32 $0xFFFFFFFF, s1;
	[sflag:s23] =	ssyncset.done $0x0  }
.LBB2_2:
0xbd: {  	[sflag:s23] =	ssyncadd.s32 $0xFFFFC000  }
0xbe: {  	_ =	sfence.sel $0x180000  }
0xbf: {  	[bflag:$0x0] =	sbarrier.arrive $0xFFFF  }
0xc0: {  	_ =	strace $0x90000047  }
0xc1: {  	s0 =	stileid.u32;
	[bflag:$0x2] =	sbarrier.arrive $0xFFFF  }
0xc2: {  	p0 =	sne.s32 s0, $0x0;
	s0 =	rddreg [dreg:$0x3]  }
0xc3: {  	s0 =	sadd.s32 @!p0 $0x100000, s0  }
0xc4: {  	[sflag:s0] =	ssyncadd.tile.s32 @!p0 $0x1;
	_ =	shalt  }
.Lfunc_end2:
_tile_overlayer_lowered:
.L_overlay_start_2:
0xc5: {  	(tag) =	ssettag $0x2  }
0xc6: {  	s0 =	rddreg [dreg:$0x0];
	s2 =	stileid.u32  }
0xc7: {  	s1 =	rddreg [dreg:$0x1];
	p0 =	sne.s32 s2, $0x0  }
0xc8: {  	s3 =	rddreg [dreg:$0x2];
	[bflag:$0x3] =	sbarrier.arrive $0xFFFF;
	s2 =	simm.s32 @!p0 $0x1C0D  }
0xc9: {  	[timem:s3], [sflag:s2] =	dma.local @!p0 [hbm:s0], s1  }
0xca: {  	s0 =	simm.s32 @!p0 $0xD  }
0xcb: {  	_ =	swait.ge @!p0 [sflag:s0], s1  }
0xcc: {  	s1 =	ssub.s32 @!p0 $0x0, s1;
	[sflag:s0] =	ssyncset.done @!p0 $0x0  }
0xcd: {  	[sflag:s0] =	ssyncadd.s32 @!p0 s1  }
0xce: {  	[bflag:$0x3] =	sbarrier.arrive $0xFFFF  }
0xcf: {  	_ =	shalt  }

</sc_bundles>
